<compile_context>
chip_gen: v7x
topology: tpu7x:2x2x1
jax: 0.10.2.dev20260603
libtpu: 0.0.44.dev20260713+nightly
codegen_flags: <defaults>
</compile_context>

<pallas_src>
import functools

import jax
import jax.numpy as jnp
from jax import lax
from jax.experimental import pallas as pl
from jax.experimental.pallas import tpu as pltpu
from jax.experimental.pallas import tpu_sc as plsc

NUM_CORES = 2
NUM_SUBCORES = 16
NUM_WORKERS = NUM_CORES * NUM_SUBCORES
EMBED = 64
LANES = 128
CHUNK = 128
NBUF = 6
GRP = 128


def _pad128(n):
    return ((n + LANES - 1) // LANES) * LANES


def _make_sc_gather(batch, n_users, n_movies):
    bw = batch // NUM_WORKERS
    ngrp = bw // GRP
    mesh = plsc.VectorSubcoreMesh(core_axis_name="c", subcore_axis_name="s")

    @functools.partial(
        pl.kernel,
        mesh=mesh,
        compiler_params=pltpu.CompilerParams(needs_layout_passes=False),
        out_type=(
            jax.ShapeDtypeStruct((batch, LANES), jnp.float32),
            jax.ShapeDtypeStruct((batch, LANES), jnp.float32),
        ),
        scratch_types=[
            pltpu.VMEM((bw + 16,), jnp.int32),
            pltpu.VMEM((bw + 16,), jnp.int32),
            pltpu.VMEM((ngrp, GRP), jnp.int32),
            pltpu.VMEM((ngrp, GRP), jnp.int32),
            pltpu.VMEM((NBUF, EMBED, CHUNK), jnp.float32),
            pltpu.VMEM((bw + 8, LANES), jnp.float32),
            pltpu.SemaphoreType.DMA,
            pltpu.SemaphoreType.DMA,
        ],
    )
    def gather(us_hbm, up_hbm, ms_hbm, mp_hbm, utabT_hbm, mtabT_hbm,
               xu_out, xm_out, uid_v, mid_v, upos_v, mpos_v,
               chunks_v, rows_v, csem, osem):
        wid = lax.axis_index("s") * NUM_CORES + lax.axis_index("c")
        i0 = wid * bw
        pltpu.sync_copy(us_hbm.at[pl.ds(i0, bw)], uid_v.at[pl.ds(0, bw)])
        pltpu.sync_copy(ms_hbm.at[pl.ds(i0, bw)], mid_v.at[pl.ds(0, bw)])
        pltpu.sync_copy(up_hbm.at[wid], upos_v)
        pltpu.sync_copy(mp_hbm.at[wid], mpos_v)

        fidx = [lax.iota(jnp.int32, 16) + 16 * k for k in range(EMBED // 16)]

        def run_table(tabT_hbm, padded_cols, ids_v, pos_v, x_out):
            def sread(p):
                return ids_v[pl.ds(p, 16)][0]

            first = sread(0)
            last = sread(bw - 1)
            start = pl.multiple_of((first // LANES) * LANES, LANES)
            nchunk = (last - start) // CHUNK + 1
            max_start = padded_cols - CHUNK

            def chunk_start(c):
                return pl.multiple_of(
                    jnp.minimum(start + c * CHUNK, max_start), LANES)

            def issue(c):
                pltpu.async_copy(
                    tabT_hbm.at[:, pl.ds(chunk_start(c), CHUNK)],
                    chunks_v.at[lax.rem(c, NBUF)], csem)

            def wait_chunk():
                pltpu.make_async_copy(
                    tabT_hbm.at[:, pl.ds(0, CHUNK)],
                    chunks_v.at[0], csem).wait()

            issue(0)
            for j in range(1, NBUF):
                @pl.when(nchunk > j)
                def _(j=j):
                    issue(j)
            wait_chunk()

            @pl.loop(0, nchunk - 1 + bw, init_carry=(0, 0))
            def _(k, carry):
                p, c = carry
                sid = sread(jnp.minimum(p, bw - 1))
                cs = chunk_start(c)
                extracting = jnp.logical_and(p < bw, sid < cs + CHUNK)
                col = jnp.clip(sid - cs, 0, CHUNK - 1)
                prow = jnp.where(extracting, p, bw)
                cbuf = chunks_v.at[lax.rem(c, NBUF)]
                for k16 in fidx:
                    v = plsc.load_gather(
                        cbuf, [k16, jnp.full((16,), col, jnp.int32)])
                    plsc.store_scatter(
                        rows_v, [jnp.full((16,), prow, jnp.int32), k16], v)
                adv = jnp.logical_and(jnp.logical_not(extracting),
                                      c + 1 < nchunk)

                @pl.when(adv)
                def _():
                    wait_chunk()

                @pl.when(jnp.logical_and(adv, c + NBUF < nchunk))
                def _():
                    issue(c + NBUF)

                return (p + extracting.astype(jnp.int32),
                        c + adv.astype(jnp.int32))
            for g in range(ngrp):
                pltpu.async_copy(
                    rows_v.at[pl.ds(g * GRP, GRP)],
                    x_out.at[pos_v.at[g]], osem)
            for _ in range(ngrp):
                pltpu.make_async_copy(
                    rows_v.at[pl.ds(0, GRP)],
                    x_out.at[pos_v.at[0]], osem).wait()

        run_table(utabT_hbm, _pad128(n_users), uid_v, upos_v, xu_out)
        run_table(mtabT_hbm, _pad128(n_movies), mid_v, mpos_v, xm_out)

    return gather


def _mlp_body(u_ref, m_ref, w1u_ref, w1m_ref, b1_ref, w2_ref, b2_ref, o_ref):
    u = u_ref[...][:, :EMBED]
    m = m_ref[...][:, :EMBED]
    h = (jnp.dot(u, w1u_ref[...], preferred_element_type=jnp.float32)
         + jnp.dot(m, w1m_ref[...], preferred_element_type=jnp.float32)
         + b1_ref[...])
    h = jnp.maximum(h, 0.0)
    o_ref[...] = jnp.sum(h * w2_ref[...], axis=1) + b2_ref[0]


def _mlp(xu, xm, w1u, w1m, b1, w2, b2, block_rows=4096):
    batch = xu.shape[0]
    return pl.pallas_call(
        _mlp_body,
        grid=(batch // block_rows,),
        in_specs=[
            pl.BlockSpec((block_rows, LANES), lambda i: (i, 0)),
            pl.BlockSpec((block_rows, LANES), lambda i: (i, 0)),
            pl.BlockSpec((EMBED, EMBED), lambda i: (0, 0)),
            pl.BlockSpec((EMBED, EMBED), lambda i: (0, 0)),
            pl.BlockSpec((1, EMBED), lambda i: (0, 0)),
            pl.BlockSpec((1, EMBED), lambda i: (0, 0)),
            pl.BlockSpec(memory_space=pltpu.SMEM),
        ],
        out_specs=pl.BlockSpec((block_rows,), lambda i: (i,)),
        out_shape=jax.ShapeDtypeStruct((batch,), jnp.float32),
    )(xu, xm, w1u, w1m, b1, w2, b2)


def kernel(user_ids, movie_ids, user_table, movie_table, W1, b1, W2, b2):
    batch = user_ids.shape[0]
    uids = user_ids.astype(jnp.int32)
    mids = movie_ids.astype(jnp.int32)
    iota = lax.iota(jnp.int32, batch)
    us, up = lax.sort_key_val(uids, iota)
    ms, mp = lax.sort_key_val(mids, iota)
    up3 = up.reshape(NUM_WORKERS, batch // (NUM_WORKERS * GRP), GRP)
    mp3 = mp.reshape(NUM_WORKERS, batch // (NUM_WORKERS * GRP), GRP)
    xu, xm = _make_sc_gather(batch, user_table.shape[0],
                             movie_table.shape[0])(
        us, up3, ms, mp3, user_table.T, movie_table.T)
    out = _mlp(xu, xm, W1[:, :EMBED].T, W1[:, EMBED:].T,
               b1.reshape(1, EMBED), W2, b2)
    return out.reshape(batch, 1)

# --- scband reference (transcript-rebuilt; emitter-appended) ---
"""Pipeline reference for scband-ranking-network-68247030334229 (READ-ONLY COPY).

The authoritative reference and input builder live on the scoring server;
editing this copy changes nothing except your own understanding.
"""

import jax, jax.numpy as jnp
import numpy as np

NUM_USERS = 1000000
NUM_MOVIES = 100000
EMBED = 64
BATCH = 16384


def setup_inputs(seed: int = 0) -> dict:
    key = jax.random.key(seed)
    k1, k2, k3, k4, k5, k6, k7, k8 = jax.random.split(key, 8)
    user_ids = jax.random.randint(k1, (BATCH,), 0, NUM_USERS, dtype=jnp.int64 if jax.config.jax_enable_x64 else jnp.int32)
    movie_ids = jax.random.randint(k2, (BATCH,), 0, NUM_MOVIES, dtype=jnp.int64 if jax.config.jax_enable_x64 else jnp.int32)
    user_table = jax.random.normal(k3, (NUM_USERS, EMBED), dtype=jnp.float32)
    movie_table = jax.random.normal(k4, (NUM_MOVIES, EMBED), dtype=jnp.float32)
    W1 = jax.random.normal(k5, (64, EMBED * 2), dtype=jnp.float32) * (1.0 / np.sqrt(EMBED * 2))
    b1 = jax.random.normal(k6, (64,), dtype=jnp.float32) * 0.01
    W2 = jax.random.normal(k7, (1, 64), dtype=jnp.float32) * (1.0 / np.sqrt(64))
    b2 = jax.random.normal(k8, (1,), dtype=jnp.float32) * 0.01
    return {
        "user_ids": user_ids,
        "movie_ids": movie_ids,
        "user_table": user_table,
        "movie_table": movie_table,
        "W1": W1,
        "b1": b1,
        "W2": W2,
        "b2": b2,
    }


def reference(user_ids, movie_ids, user_table, movie_table, W1, b1, W2, b2):
    user_embedded = jnp.take(user_table, user_ids, axis=0)
    movie_embedded = jnp.take(movie_table, movie_ids, axis=0)
    x = jnp.concatenate([user_embedded, movie_embedded], axis=-1)
    x = jax.nn.relu(x @ W1.T + b1)
    x = x @ W2.T + b2
    return x

if __name__ == "__main__":
    import jax
    _d = setup_inputs()
    print(jax.jit(kernel)(*tuple(_d.values())))

</pallas_src>

<mosaic_0001>
#map = affine_map<(d0, d1) -> (0)>
#map1 = affine_map<(d0, d1) -> (0, 0, 0)>
#map2 = affine_map<(d0, d1) -> (0, 0)>
module attributes {stable_mosaic.version = 14 : i64} {
  func.func @gather(%arg0: i32, %arg1: i32, %arg2: memref<16384xi32, #tpu.memory_space<hbm>>, %arg3: memref<32x4x128xi32, #tpu.memory_space<hbm>>, %arg4: memref<16384xi32, #tpu.memory_space<hbm>>, %arg5: memref<32x4x128xi32, #tpu.memory_space<hbm>>, %arg6: memref<64x1000000xf32, #tpu.memory_space<hbm>>, %arg7: memref<64x100000xf32, #tpu.memory_space<hbm>>, %arg8: memref<16384x128xf32, #tpu.memory_space<hbm>>, %arg9: memref<16384x128xf32, #tpu.memory_space<hbm>>, %arg10: memref<528xi32, #tpu.memory_space<vmem>>, %arg11: memref<528xi32, #tpu.memory_space<vmem>>, %arg12: memref<4x128xi32, #tpu.memory_space<vmem>>, %arg13: memref<4x128xi32, #tpu.memory_space<vmem>>, %arg14: memref<6x64x128xf32, #tpu.memory_space<vmem>>, %arg15: memref<520x128xf32, #tpu.memory_space<vmem>>, %arg16: memref<!tpu.dma_semaphore, #tpu.memory_space<semaphore_mem>>, %arg17: memref<!tpu.dma_semaphore, #tpu.memory_space<semaphore_mem>>) attributes {dimension_semantics = [#tpu.dimension_semantics<core_parallel>, #tpu.dimension_semantics<subcore_parallel>], iteration_bounds = array<i64: 2, 16>, scalar_prefetch = 0 : i64, scratch_operands = 8 : i64, tpu.core_type = #tpu.core_type<sc_vector_subcore>, window_params = [{transform_indices = #map}, {transform_indices = #map1}, {transform_indices = #map}, {transform_indices = #map1}, {transform_indices = #map2}, {transform_indices = #map2}, {transform_indices = #map2}, {transform_indices = #map2}]} {
    %mul3A = arith.constant 2 : i32
    %mul3A_0 = arith.muli %arg1, %mul3A : i32
    %add3A = arith.addi %mul3A_0, %arg0 : i32
    %mul3A_1 = arith.constant 512 : i32
    %mul3A_2 = arith.muli %add3A, %mul3A_1 : i32
    "tpu.region"() ({
      %run_scoped3A = tpu.sem_alloc : memref<!tpu.dma_semaphore, #tpu.memory_space<semaphore_mem>>
      %dma_start3A_457 = arith.constant 0 : i32
      %dma_start3A_458 = tpu.memref_slice %arg10[%dma_start3A_457] : memref<528xi32, #tpu.memory_space<vmem>> -> memref<512xi32, #tpu.memory_space<vmem>>
      %dma_start3A_459 = tpu.memref_slice %arg2[%mul3A_2] : memref<16384xi32, #tpu.memory_space<hbm>> -> memref<512xi32, #tpu.memory_space<hbm>>
      %dma_start3A_460 = arith.constant 0 : i32
      %dma_start3A_461 = tpu.memref_slice %arg10[%dma_start3A_460] : memref<528xi32, #tpu.memory_space<vmem>> -> memref<512xi32, #tpu.memory_space<vmem>>
      %dma_start3A_462 = tpu.memref_slice %arg2[%mul3A_2] : memref<16384xi32, #tpu.memory_space<hbm>> -> memref<512xi32, #tpu.memory_space<hbm>>
      tpu.enqueue_dma source(%dma_start3A_462 : memref<512xi32, #tpu.memory_space<hbm>>) target(%dma_start3A_461 : memref<512xi32, #tpu.memory_space<vmem>>) target_semaphore(%run_scoped3A : memref<!tpu.dma_semaphore, #tpu.memory_space<semaphore_mem>>)
      %dma_wait3A_463 = arith.constant 0 : i32
      %dma_wait3A_464 = tpu.memref_slice %arg10[%dma_wait3A_463] : memref<528xi32, #tpu.memory_space<vmem>> -> memref<512xi32, #tpu.memory_space<vmem>>
      %dma_wait3A_465 = tpu.memref_slice %arg2[%mul3A_2] : memref<16384xi32, #tpu.memory_space<hbm>> -> memref<512xi32, #tpu.memory_space<hbm>>
      %dma_wait3A_466 = arith.constant 0 : i32
      %dma_wait3A_467 = tpu.memref_slice %arg10[%dma_wait3A_466] : memref<528xi32, #tpu.memory_space<vmem>> -> memref<512xi32, #tpu.memory_space<vmem>>
      %dma_wait3A_468 = tpu.memref_slice %arg2[%mul3A_2] : memref<16384xi32, #tpu.memory_space<hbm>> -> memref<512xi32, #tpu.memory_space<hbm>>
      tpu.wait_dma2 semaphore(%run_scoped3A : memref<!tpu.dma_semaphore, #tpu.memory_space<semaphore_mem>>) src(%dma_wait3A_468 : memref<512xi32, #tpu.memory_space<hbm>>) dst(%dma_wait3A_467 : memref<512xi32, #tpu.memory_space<vmem>>)
      tpu.yield
    }) : () -> ()
    "tpu.region"() ({
      %run_scoped3A = tpu.sem_alloc : memref<!tpu.dma_semaphore, #tpu.memory_space<semaphore_mem>>
      %dma_start3A_457 = arith.constant 0 : i32
      %dma_start3A_458 = tpu.memref_slice %arg11[%dma_start3A_457] : memref<528xi32, #tpu.memory_space<vmem>> -> memref<512xi32, #tpu.memory_space<vmem>>
      %dma_start3A_459 = tpu.memref_slice %arg4[%mul3A_2] : memref<16384xi32, #tpu.memory_space<hbm>> -> memref<512xi32, #tpu.memory_space<hbm>>
      %dma_start3A_460 = arith.constant 0 : i32
      %dma_start3A_461 = tpu.memref_slice %arg11[%dma_start3A_460] : memref<528xi32, #tpu.memory_space<vmem>> -> memref<512xi32, #tpu.memory_space<vmem>>
      %dma_start3A_462 = tpu.memref_slice %arg4[%mul3A_2] : memref<16384xi32, #tpu.memory_space<hbm>> -> memref<512xi32, #tpu.memory_space<hbm>>
      tpu.enqueue_dma source(%dma_start3A_462 : memref<512xi32, #tpu.memory_space<hbm>>) target(%dma_start3A_461 : memref<512xi32, #tpu.memory_space<vmem>>) target_semaphore(%run_scoped3A : memref<!tpu.dma_semaphore, #tpu.memory_space<semaphore_mem>>)
      %dma_wait3A_463 = arith.constant 0 : i32
      %dma_wait3A_464 = tpu.memref_slice %arg11[%dma_wait3A_463] : memref<528xi32, #tpu.memory_space<vmem>> -> memref<512xi32, #tpu.memory_space<vmem>>
      %dma_wait3A_465 = tpu.memref_slice %arg4[%mul3A_2] : memref<16384xi32, #tpu.memory_space<hbm>> -> memref<512xi32, #tpu.memory_space<hbm>>
      %dma_wait3A_466 = arith.constant 0 : i32
      %dma_wait3A_467 = tpu.memref_slice %arg11[%dma_wait3A_466] : memref<528xi32, #tpu.memory_space<vmem>> -> memref<512xi32, #tpu.memory_space<vmem>>
      %dma_wait3A_468 = tpu.memref_slice %arg4[%mul3A_2] : memref<16384xi32, #tpu.memory_space<hbm>> -> memref<512xi32, #tpu.memory_space<hbm>>
      tpu.wait_dma2 semaphore(%run_scoped3A : memref<!tpu.dma_semaphore, #tpu.memory_space<semaphore_mem>>) src(%dma_wait3A_468 : memref<512xi32, #tpu.memory_space<hbm>>) dst(%dma_wait3A_467 : memref<512xi32, #tpu.memory_space<vmem>>)
      tpu.yield
    }) : () -> ()
    "tpu.region"() ({
      %run_scoped3A = tpu.sem_alloc : memref<!tpu.dma_semaphore, #tpu.memory_space<semaphore_mem>>
      %dma_start3A_457 = arith.constant 0 : i32
      %dma_start3A_458 = arith.constant 0 : i32
      %dma_start3A_459 = tpu.memref_slice %arg3[%add3A, %dma_start3A_457, %dma_start3A_458] : memref<32x4x128xi32, #tpu.memory_space<hbm>> -> memref<1x4x128xi32, #tpu.memory_space<hbm>>
      %dma_start3A_460 = tpu.memref_squeeze %dma_start3A_459 : memref<1x4x128xi32, #tpu.memory_space<hbm>> -> memref<4x128xi32, #tpu.memory_space<hbm>>
      %dma_start3A_461 = arith.constant 0 : i32
      %dma_start3A_462 = arith.constant 0 : i32
      %dma_start3A_463 = tpu.memref_slice %arg3[%add3A, %dma_start3A_461, %dma_start3A_462] : memref<32x4x128xi32, #tpu.memory_space<hbm>> -> memref<1x4x128xi32, #tpu.memory_space<hbm>>
      %dma_start3A_464 = tpu.memref_squeeze %dma_start3A_463 : memref<1x4x128xi32, #tpu.memory_space<hbm>> -> memref<4x128xi32, #tpu.memory_space<hbm>>
      tpu.enqueue_dma source(%dma_start3A_464 : memref<4x128xi32, #tpu.memory_space<hbm>>) target(%arg12 : memref<4x128xi32, #tpu.memory_space<vmem>>) target_semaphore(%run_scoped3A : memref<!tpu.dma_semaphore, #tpu.memory_space<semaphore_mem>>)
      %dma_wait3A_465 = arith.constant 0 : i32
      %dma_wait3A_466 = arith.constant 0 : i32
      %dma_wait3A_467 = tpu.memref_slice %arg3[%add3A, %dma_wait3A_465, %dma_wait3A_466] : memref<32x4x128xi32, #tpu.memory_space<hbm>> -> memref<1x4x128xi32, #tpu.memory_space<hbm>>
      %dma_wait3A_468 = tpu.memref_squeeze %dma_wait3A_467 : memref<1x4x128xi32, #tpu.memory_space<hbm>> -> memref<4x128xi32, #tpu.memory_space<hbm>>
      %dma_wait3A_469 = arith.constant 0 : i32
      %dma_wait3A_470 = arith.constant 0 : i32
      %dma_wait3A_471 = tpu.memref_slice %arg3[%add3A, %dma_wait3A_469, %dma_wait3A_470] : memref<32x4x128xi32, #tpu.memory_space<hbm>> -> memref<1x4x128xi32, #tpu.memory_space<hbm>>
      %dma_wait3A_472 = tpu.memref_squeeze %dma_wait3A_471 : memref<1x4x128xi32, #tpu.memory_space<hbm>> -> memref<4x128xi32, #tpu.memory_space<hbm>>
      tpu.wait_dma2 semaphore(%run_scoped3A : memref<!tpu.dma_semaphore, #tpu.memory_space<semaphore_mem>>) src(%dma_wait3A_472 : memref<4x128xi32, #tpu.memory_space<hbm>>) dst(%arg12 : memref<4x128xi32, #tpu.memory_space<vmem>>)
      tpu.yield
    }) : () -> ()
    "tpu.region"() ({
      %run_scoped3A = tpu.sem_alloc : memref<!tpu.dma_semaphore, #tpu.memory_space<semaphore_mem>>
      %dma_start3A_457 = arith.constant 0 : i32
      %dma_start3A_458 = arith.constant 0 : i32
      %dma_start3A_459 = tpu.memref_slice %arg5[%add3A, %dma_start3A_457, %dma_start3A_458] : memref<32x4x128xi32, #tpu.memory_space<hbm>> -> memref<1x4x128xi32, #tpu.memory_space<hbm>>
      %dma_start3A_460 = tpu.memref_squeeze %dma_start3A_459 : memref<1x4x128xi32, #tpu.memory_space<hbm>> -> memref<4x128xi32, #tpu.memory_space<hbm>>
      %dma_start3A_461 = arith.constant 0 : i32
      %dma_start3A_462 = arith.constant 0 : i32
      %dma_start3A_463 = tpu.memref_slice %arg5[%add3A, %dma_start3A_461, %dma_start3A_462] : memref<32x4x128xi32, #tpu.memory_space<hbm>> -> memref<1x4x128xi32, #tpu.memory_space<hbm>>
      %dma_start3A_464 = tpu.memref_squeeze %dma_start3A_463 : memref<1x4x128xi32, #tpu.memory_space<hbm>> -> memref<4x128xi32, #tpu.memory_space<hbm>>
      tpu.enqueue_dma source(%dma_start3A_464 : memref<4x128xi32, #tpu.memory_space<hbm>>) target(%arg13 : memref<4x128xi32, #tpu.memory_space<vmem>>) target_semaphore(%run_scoped3A : memref<!tpu.dma_semaphore, #tpu.memory_space<semaphore_mem>>)
      %dma_wait3A_465 = arith.constant 0 : i32
      %dma_wait3A_466 = arith.constant 0 : i32
      %dma_wait3A_467 = tpu.memref_slice %arg5[%add3A, %dma_wait3A_465, %dma_wait3A_466] : memref<32x4x128xi32, #tpu.memory_space<hbm>> -> memref<1x4x128xi32, #tpu.memory_space<hbm>>
      %dma_wait3A_468 = tpu.memref_squeeze %dma_wait3A_467 : memref<1x4x128xi32, #tpu.memory_space<hbm>> -> memref<4x128xi32, #tpu.memory_space<hbm>>
      %dma_wait3A_469 = arith.constant 0 : i32
      %dma_wait3A_470 = arith.constant 0 : i32
      %dma_wait3A_471 = tpu.memref_slice %arg5[%add3A, %dma_wait3A_469, %dma_wait3A_470] : memref<32x4x128xi32, #tpu.memory_space<hbm>> -> memref<1x4x128xi32, #tpu.memory_space<hbm>>
      %dma_wait3A_472 = tpu.memref_squeeze %dma_wait3A_471 : memref<1x4x128xi32, #tpu.memory_space<hbm>> -> memref<4x128xi32, #tpu.memory_space<hbm>>
      tpu.wait_dma2 semaphore(%run_scoped3A : memref<!tpu.dma_semaphore, #tpu.memory_space<semaphore_mem>>) src(%dma_wait3A_472 : memref<4x128xi32, #tpu.memory_space<hbm>>) dst(%arg13 : memref<4x128xi32, #tpu.memory_space<vmem>>)
      tpu.yield
    }) : () -> ()
    %iota3A = tpu.iota {dimensions = array<i32: 0>} : vector<16xi32>
    %add3A_3 = arith.constant 0 : i32
    %add3A_4 = vector.broadcast %add3A_3 : i32 to vector<16xi32>
    %add3A_5 = arith.addi %iota3A, %add3A_4 : vector<16xi32>
    %iota3A_6 = tpu.iota {dimensions = array<i32: 0>} : vector<16xi32>
    %add3A_7 = arith.constant 16 : i32
    %add3A_8 = vector.broadcast %add3A_7 : i32 to vector<16xi32>
    %add3A_9 = arith.addi %iota3A_6, %add3A_8 : vector<16xi32>
    %iota3A_10 = tpu.iota {dimensions = array<i32: 0>} : vector<16xi32>
    %add3A_11 = arith.constant 32 : i32
    %add3A_12 = vector.broadcast %add3A_11 : i32 to vector<16xi32>
    %add3A_13 = arith.addi %iota3A_10, %add3A_12 : vector<16xi32>
    %iota3A_14 = tpu.iota {dimensions = array<i32: 0>} : vector<16xi32>
    %add3A_15 = arith.constant 48 : i32
    %add3A_16 = vector.broadcast %add3A_15 : i32 to vector<16xi32>
    %add3A_17 = arith.addi %iota3A_14, %add3A_16 : vector<16xi32>
    %get3A = arith.constant 0 : index
    %get3A_18 = tpu.vector_load %arg10[%get3A] {strides = array<i32>} : memref<528xi32, #tpu.memory_space<vmem>>, vector<16xi32>,
    %slice3A = vector.extract_strided_slice %get3A_18 {offsets = [0], sizes = [1], strides = [1]} : vector<16xi32> to vector<1xi32>
    %squeeze3A = vector.extract %slice3A[0] : i32 from vector<1xi32>
    %get3A_19 = arith.constant 511 : index
    %get3A_20 = tpu.vector_load %arg10[%get3A_19] {strides = array<i32>} : memref<528xi32, #tpu.memory_space<vmem>>, vector<16xi32>,
    %slice3A_21 = vector.extract_strided_slice %get3A_20 {offsets = [0], sizes = [1], strides = [1]} : vector<16xi32> to vector<1xi32>
    %squeeze3A_22 = vector.extract %slice3A_21[0] : i32 from vector<1xi32>
    %jit3A = arith.constant 128 : i32
    %div3A = arith.divsi %squeeze3A, %jit3A : i32
    %sign3A = arith.constant 0 : i32
    %sign3A_23 = arith.cmpi sgt, %squeeze3A, %sign3A : i32
    %sign3A_24 = arith.extui %sign3A_23 : i1 to i32
    %sign3A_25 = arith.constant 0 : i32
    %sign3A_26 = arith.cmpi slt, %squeeze3A, %sign3A_25 : i32
    %sign3A_27 = arith.extui %sign3A_26 : i1 to i32
    %sign3A_28 = arith.subi %sign3A_24, %sign3A_27 : i32
    %sign3A_29 = arith.constant 0 : i32
    %sign3A_30 = arith.cmpi sgt, %jit3A, %sign3A_29 : i32
    %sign3A_31 = arith.extui %sign3A_30 : i1 to i32
    %sign3A_32 = arith.constant 0 : i32
    %sign3A_33 = arith.cmpi slt, %jit3A, %sign3A_32 : i32
    %sign3A_34 = arith.extui %sign3A_33 : i1 to i32
    %sign3A_35 = arith.subi %sign3A_31, %sign3A_34 : i32
    %ne3A = arith.cmpi ne, %sign3A_28, %sign3A_35 : i32
    %rem3A = arith.remsi %squeeze3A, %jit3A : i32
    %ne3A_36 = arith.constant 0 : i32
    %ne3A_37 = arith.cmpi ne, %rem3A, %ne3A_36 : i32
    %and3A = arith.andi %ne3A, %ne3A_37 : i1
    %sub3A = arith.constant 1 : i32
    %sub3A_38 = arith.subi %div3A, %sub3A : i32
    %select_n3A = arith.select %and3A, %sub3A_38, %div3A : i32
    %mul3A_39 = arith.constant 128 : i32
    %mul3A_40 = arith.muli %select_n3A, %mul3A_39 : i32
    %multiple_of3A = tpu.assume_multiple %mul3A_40, 128 : i32
    %sub3A_41 = arith.subi %squeeze3A_22, %multiple_of3A : i32
    %jit3A_42 = arith.constant 128 : i32
    %div3A_43 = arith.divsi %sub3A_41, %jit3A_42 : i32
    %sign3A_44 = arith.constant 0 : i32
    %sign3A_45 = arith.cmpi sgt, %sub3A_41, %sign3A_44 : i32
    %sign3A_46 = arith.extui %sign3A_45 : i1 to i32
    %sign3A_47 = arith.constant 0 : i32
    %sign3A_48 = arith.cmpi slt, %sub3A_41, %sign3A_47 : i32
    %sign3A_49 = arith.extui %sign3A_48 : i1 to i32
    %sign3A_50 = arith.subi %sign3A_46, %sign3A_49 : i32
    %sign3A_51 = arith.constant 0 : i32
    %sign3A_52 = arith.cmpi sgt, %jit3A_42, %sign3A_51 : i32
    %sign3A_53 = arith.extui %sign3A_52 : i1 to i32
    %sign3A_54 = arith.constant 0 : i32
    %sign3A_55 = arith.cmpi slt, %jit3A_42, %sign3A_54 : i32
    %sign3A_56 = arith.extui %sign3A_55 : i1 to i32
    %sign3A_57 = arith.subi %sign3A_53, %sign3A_56 : i32
    %ne3A_58 = arith.cmpi ne, %sign3A_50, %sign3A_57 : i32
    %rem3A_59 = arith.remsi %sub3A_41, %jit3A_42 : i32
    %ne3A_60 = arith.constant 0 : i32
    %ne3A_61 = arith.cmpi ne, %rem3A_59, %ne3A_60 : i32
    %and3A_62 = arith.andi %ne3A_58, %ne3A_61 : i1
    %sub3A_63 = arith.constant 1 : i32
    %sub3A_64 = arith.subi %div3A_43, %sub3A_63 : i32
    %select_n3A_65 = arith.select %and3A_62, %sub3A_64, %div3A_43 : i32
    %add3A_66 = arith.constant 1 : i32
    %add3A_67 = arith.addi %select_n3A_65, %add3A_66 : i32
    %add3A_68 = arith.constant 0 : i32
    %add3A_69 = arith.addi %multiple_of3A, %add3A_68 : i32
    %min3A = arith.constant 999936 : i32
    %min3A_70 = arith.minsi %add3A_69, %min3A : i32
    %multiple_of3A_71 = tpu.assume_multiple %min3A_70, 128 : i32
    %rem3A_72 = arith.constant 0 : i32
    %rem3A_73 = arith.constant 6 : i32
    %rem3A_74 = arith.remsi %rem3A_72, %rem3A_73 : i32
    %dma_start3A = arith.constant 0 : i32
    %dma_start3A_75 = arith.constant 0 : i32
    %dma_start3A_76 = tpu.memref_slice %arg14[%rem3A_74, %dma_start3A, %dma_start3A_75] : memref<6x64x128xf32, #tpu.memory_space<vmem>> -> memref<1x64x128xf32, #tpu.memory_space<vmem>>
    %dma_start3A_77 = tpu.memref_squeeze %dma_start3A_76 : memref<1x64x128xf32, #tpu.memory_space<vmem>> -> memref<64x128xf32, #tpu.memory_space<vmem>>
    %dma_start3A_78 = arith.constant 0 : i32
    %dma_start3A_79 = tpu.memref_slice %arg6[%dma_start3A_78, %multiple_of3A_71] : memref<64x1000000xf32, #tpu.memory_space<hbm>> -> memref<64x128xf32, #tpu.memory_space<hbm>>
    %dma_start3A_80 = arith.constant 0 : i32
    %dma_start3A_81 = arith.constant 0 : i32
    %dma_start3A_82 = tpu.memref_slice %arg14[%rem3A_74, %dma_start3A_80, %dma_start3A_81] : memref<6x64x128xf32, #tpu.memory_space<vmem>> -> memref<1x64x128xf32, #tpu.memory_space<vmem>>
    %dma_start3A_83 = tpu.memref_squeeze %dma_start3A_82 : memref<1x64x128xf32, #tpu.memory_space<vmem>> -> memref<64x128xf32, #tpu.memory_space<vmem>>
    %dma_start3A_84 = arith.constant 0 : i32
    %dma_start3A_85 = tpu.memref_slice %arg6[%dma_start3A_84, %multiple_of3A_71] : memref<64x1000000xf32, #tpu.memory_space<hbm>> -> memref<64x128xf32, #tpu.memory_space<hbm>>
    tpu.enqueue_dma source(%dma_start3A_85 : memref<64x128xf32, #tpu.memory_space<hbm>>) target(%dma_start3A_83 : memref<64x128xf32, #tpu.memory_space<vmem>>) target_semaphore(%arg16 : memref<!tpu.dma_semaphore, #tpu.memory_space<semaphore_mem>>)
    %gt3A = arith.constant 1 : i32
    %gt3A_86 = arith.cmpi sgt, %add3A_67, %gt3A : i32
    %convert_element_type3A = arith.extui %gt3A_86 : i1 to i32
    %cond3A = arith.constant 0 : i32
    %cond3A_87 = arith.cmpi ne, %convert_element_type3A, %cond3A : i32
    scf.if %cond3A_87 {
      %add3A_457 = arith.constant 128 : i32
      %add3A_458 = arith.addi %multiple_of3A, %add3A_457 : i32
      %min3A_459 = arith.constant 999936 : i32
      %min3A_460 = arith.minsi %add3A_458, %min3A_459 : i32
      %multiple_of3A_461 = tpu.assume_multiple %min3A_460, 128 : i32
      %rem3A_462 = arith.constant 1 : i32
      %rem3A_463 = arith.constant 6 : i32
      %rem3A_464 = arith.remsi %rem3A_462, %rem3A_463 : i32
      %dma_start3A_465 = arith.constant 0 : i32
      %dma_start3A_466 = arith.constant 0 : i32
      %dma_start3A_467 = tpu.memref_slice %arg14[%rem3A_464, %dma_start3A_465, %dma_start3A_466] : memref<6x64x128xf32, #tpu.memory_space<vmem>> -> memref<1x64x128xf32, #tpu.memory_space<vmem>>
      %dma_start3A_468 = tpu.memref_squeeze %dma_start3A_467 : memref<1x64x128xf32, #tpu.memory_space<vmem>> -> memref<64x128xf32, #tpu.memory_space<vmem>>
      %dma_start3A_469 = arith.constant 0 : i32
      %dma_start3A_470 = tpu.memref_slice %arg6[%dma_start3A_469, %multiple_of3A_461] : memref<64x1000000xf32, #tpu.memory_space<hbm>> -> memref<64x128xf32, #tpu.memory_space<hbm>>
      %dma_start3A_471 = arith.constant 0 : i32
      %dma_start3A_472 = arith.constant 0 : i32
      %dma_start3A_473 = tpu.memref_slice %arg14[%rem3A_464, %dma_start3A_471, %dma_start3A_472] : memref<6x64x128xf32, #tpu.memory_space<vmem>> -> memref<1x64x128xf32, #tpu.memory_space<vmem>>
      %dma_start3A_474 = tpu.memref_squeeze %dma_start3A_473 : memref<1x64x128xf32, #tpu.memory_space<vmem>> -> memref<64x128xf32, #tpu.memory_space<vmem>>
      %dma_start3A_475 = arith.constant 0 : i32
      %dma_start3A_476 = tpu.memref_slice %arg6[%dma_start3A_475, %multiple_of3A_461] : memref<64x1000000xf32, #tpu.memory_space<hbm>> -> memref<64x128xf32, #tpu.memory_space<hbm>>
      tpu.enqueue_dma source(%dma_start3A_476 : memref<64x128xf32, #tpu.memory_space<hbm>>) target(%dma_start3A_474 : memref<64x128xf32, #tpu.memory_space<vmem>>) target_semaphore(%arg16 : memref<!tpu.dma_semaphore, #tpu.memory_space<semaphore_mem>>)
    } else {
    }
    %gt3A_88 = arith.constant 2 : i32
    %gt3A_89 = arith.cmpi sgt, %add3A_67, %gt3A_88 : i32
    %convert_element_type3A_90 = arith.extui %gt3A_89 : i1 to i32
    %cond3A_91 = arith.constant 0 : i32
    %cond3A_92 = arith.cmpi ne, %convert_element_type3A_90, %cond3A_91 : i32
    scf.if %cond3A_92 {
      %add3A_457 = arith.constant 256 : i32
      %add3A_458 = arith.addi %multiple_of3A, %add3A_457 : i32
      %min3A_459 = arith.constant 999936 : i32
      %min3A_460 = arith.minsi %add3A_458, %min3A_459 : i32
      %multiple_of3A_461 = tpu.assume_multiple %min3A_460, 128 : i32
      %rem3A_462 = arith.constant 2 : i32
      %rem3A_463 = arith.constant 6 : i32
      %rem3A_464 = arith.remsi %rem3A_462, %rem3A_463 : i32
      %dma_start3A_465 = arith.constant 0 : i32
      %dma_start3A_466 = arith.constant 0 : i32
      %dma_start3A_467 = tpu.memref_slice %arg14[%rem3A_464, %dma_start3A_465, %dma_start3A_466] : memref<6x64x128xf32, #tpu.memory_space<vmem>> -> memref<1x64x128xf32, #tpu.memory_space<vmem>>
      %dma_start3A_468 = tpu.memref_squeeze %dma_start3A_467 : memref<1x64x128xf32, #tpu.memory_space<vmem>> -> memref<64x128xf32, #tpu.memory_space<vmem>>
      %dma_start3A_469 = arith.constant 0 : i32
      %dma_start3A_470 = tpu.memref_slice %arg6[%dma_start3A_469, %multiple_of3A_461] : memref<64x1000000xf32, #tpu.memory_space<hbm>> -> memref<64x128xf32, #tpu.memory_space<hbm>>
      %dma_start3A_471 = arith.constant 0 : i32
      %dma_start3A_472 = arith.constant 0 : i32
      %dma_start3A_473 = tpu.memref_slice %arg14[%rem3A_464, %dma_start3A_471, %dma_start3A_472] : memref<6x64x128xf32, #tpu.memory_space<vmem>> -> memref<1x64x128xf32, #tpu.memory_space<vmem>>
      %dma_start3A_474 = tpu.memref_squeeze %dma_start3A_473 : memref<1x64x128xf32, #tpu.memory_space<vmem>> -> memref<64x128xf32, #tpu.memory_space<vmem>>
      %dma_start3A_475 = arith.constant 0 : i32
      %dma_start3A_476 = tpu.memref_slice %arg6[%dma_start3A_475, %multiple_of3A_461] : memref<64x1000000xf32, #tpu.memory_space<hbm>> -> memref<64x128xf32, #tpu.memory_space<hbm>>
      tpu.enqueue_dma source(%dma_start3A_476 : memref<64x128xf32, #tpu.memory_space<hbm>>) target(%dma_start3A_474 : memref<64x128xf32, #tpu.memory_space<vmem>>) target_semaphore(%arg16 : memref<!tpu.dma_semaphore, #tpu.memory_space<semaphore_mem>>)
    } else {
    }
    %gt3A_93 = arith.constant 3 : i32
    %gt3A_94 = arith.cmpi sgt, %add3A_67, %gt3A_93 : i32
    %convert_element_type3A_95 = arith.extui %gt3A_94 : i1 to i32
    %cond3A_96 = arith.constant 0 : i32
    %cond3A_97 = arith.cmpi ne, %convert_element_type3A_95, %cond3A_96 : i32
    scf.if %cond3A_97 {
      %add3A_457 = arith.constant 384 : i32
      %add3A_458 = arith.addi %multiple_of3A, %add3A_457 : i32
      %min3A_459 = arith.constant 999936 : i32
      %min3A_460 = arith.minsi %add3A_458, %min3A_459 : i32
      %multiple_of3A_461 = tpu.assume_multiple %min3A_460, 128 : i32
      %rem3A_462 = arith.constant 3 : i32
      %rem3A_463 = arith.constant 6 : i32
      %rem3A_464 = arith.remsi %rem3A_462, %rem3A_463 : i32
      %dma_start3A_465 = arith.constant 0 : i32
      %dma_start3A_466 = arith.constant 0 : i32
      %dma_start3A_467 = tpu.memref_slice %arg14[%rem3A_464, %dma_start3A_465, %dma_start3A_466] : memref<6x64x128xf32, #tpu.memory_space<vmem>> -> memref<1x64x128xf32, #tpu.memory_space<vmem>>
      %dma_start3A_468 = tpu.memref_squeeze %dma_start3A_467 : memref<1x64x128xf32, #tpu.memory_space<vmem>> -> memref<64x128xf32, #tpu.memory_space<vmem>>
      %dma_start3A_469 = arith.constant 0 : i32
      %dma_start3A_470 = tpu.memref_slice %arg6[%dma_start3A_469, %multiple_of3A_461] : memref<64x1000000xf32, #tpu.memory_space<hbm>> -> memref<64x128xf32, #tpu.memory_space<hbm>>
      %dma_start3A_471 = arith.constant 0 : i32
      %dma_start3A_472 = arith.constant 0 : i32
      %dma_start3A_473 = tpu.memref_slice %arg14[%rem3A_464, %dma_start3A_471, %dma_start3A_472] : memref<6x64x128xf32, #tpu.memory_space<vmem>> -> memref<1x64x128xf32, #tpu.memory_space<vmem>>
      %dma_start3A_474 = tpu.memref_squeeze %dma_start3A_473 : memref<1x64x128xf32, #tpu.memory_space<vmem>> -> memref<64x128xf32, #tpu.memory_space<vmem>>
      %dma_start3A_475 = arith.constant 0 : i32
      %dma_start3A_476 = tpu.memref_slice %arg6[%dma_start3A_475, %multiple_of3A_461] : memref<64x1000000xf32, #tpu.memory_space<hbm>> -> memref<64x128xf32, #tpu.memory_space<hbm>>
      tpu.enqueue_dma source(%dma_start3A_476 : memref<64x128xf32, #tpu.memory_space<hbm>>) target(%dma_start3A_474 : memref<64x128xf32, #tpu.memory_space<vmem>>) target_semaphore(%arg16 : memref<!tpu.dma_semaphore, #tpu.memory_space<semaphore_mem>>)
    } else {
    }
    %gt3A_98 = arith.constant 4 : i32
    %gt3A_99 = arith.cmpi sgt, %add3A_67, %gt3A_98 : i32
    %convert_element_type3A_100 = arith.extui %gt3A_99 : i1 to i32
    %cond3A_101 = arith.constant 0 : i32
    %cond3A_102 = arith.cmpi ne, %convert_element_type3A_100, %cond3A_101 : i32
    scf.if %cond3A_102 {
      %add3A_457 = arith.constant 512 : i32
      %add3A_458 = arith.addi %multiple_of3A, %add3A_457 : i32
      %min3A_459 = arith.constant 999936 : i32
      %min3A_460 = arith.minsi %add3A_458, %min3A_459 : i32
      %multiple_of3A_461 = tpu.assume_multiple %min3A_460, 128 : i32
      %rem3A_462 = arith.constant 4 : i32
      %rem3A_463 = arith.constant 6 : i32
      %rem3A_464 = arith.remsi %rem3A_462, %rem3A_463 : i32
      %dma_start3A_465 = arith.constant 0 : i32
      %dma_start3A_466 = arith.constant 0 : i32
      %dma_start3A_467 = tpu.memref_slice %arg14[%rem3A_464, %dma_start3A_465, %dma_start3A_466] : memref<6x64x128xf32, #tpu.memory_space<vmem>> -> memref<1x64x128xf32, #tpu.memory_space<vmem>>
      %dma_start3A_468 = tpu.memref_squeeze %dma_start3A_467 : memref<1x64x128xf32, #tpu.memory_space<vmem>> -> memref<64x128xf32, #tpu.memory_space<vmem>>
      %dma_start3A_469 = arith.constant 0 : i32
      %dma_start3A_470 = tpu.memref_slice %arg6[%dma_start3A_469, %multiple_of3A_461] : memref<64x1000000xf32, #tpu.memory_space<hbm>> -> memref<64x128xf32, #tpu.memory_space<hbm>>
      %dma_start3A_471 = arith.constant 0 : i32
      %dma_start3A_472 = arith.constant 0 : i32
      %dma_start3A_473 = tpu.memref_slice %arg14[%rem3A_464, %dma_start3A_471, %dma_start3A_472] : memref<6x64x128xf32, #tpu.memory_space<vmem>> -> memref<1x64x128xf32, #tpu.memory_space<vmem>>
      %dma_start3A_474 = tpu.memref_squeeze %dma_start3A_473 : memref<1x64x128xf32, #tpu.memory_space<vmem>> -> memref<64x128xf32, #tpu.memory_space<vmem>>
      %dma_start3A_475 = arith.constant 0 : i32
      %dma_start3A_476 = tpu.memref_slice %arg6[%dma_start3A_475, %multiple_of3A_461] : memref<64x1000000xf32, #tpu.memory_space<hbm>> -> memref<64x128xf32, #tpu.memory_space<hbm>>
      tpu.enqueue_dma source(%dma_start3A_476 : memref<64x128xf32, #tpu.memory_space<hbm>>) target(%dma_start3A_474 : memref<64x128xf32, #tpu.memory_space<vmem>>) target_semaphore(%arg16 : memref<!tpu.dma_semaphore, #tpu.memory_space<semaphore_mem>>)
    } else {
    }
    %gt3A_103 = arith.constant 5 : i32
    %gt3A_104 = arith.cmpi sgt, %add3A_67, %gt3A_103 : i32
    %convert_element_type3A_105 = arith.extui %gt3A_104 : i1 to i32
    %cond3A_106 = arith.constant 0 : i32
    %cond3A_107 = arith.cmpi ne, %convert_element_type3A_105, %cond3A_106 : i32
    scf.if %cond3A_107 {
      %add3A_457 = arith.constant 640 : i32
      %add3A_458 = arith.addi %multiple_of3A, %add3A_457 : i32
      %min3A_459 = arith.constant 999936 : i32
      %min3A_460 = arith.minsi %add3A_458, %min3A_459 : i32
      %multiple_of3A_461 = tpu.assume_multiple %min3A_460, 128 : i32
      %rem3A_462 = arith.constant 5 : i32
      %rem3A_463 = arith.constant 6 : i32
      %rem3A_464 = arith.remsi %rem3A_462, %rem3A_463 : i32
      %dma_start3A_465 = arith.constant 0 : i32
      %dma_start3A_466 = arith.constant 0 : i32
      %dma_start3A_467 = tpu.memref_slice %arg14[%rem3A_464, %dma_start3A_465, %dma_start3A_466] : memref<6x64x128xf32, #tpu.memory_space<vmem>> -> memref<1x64x128xf32, #tpu.memory_space<vmem>>
      %dma_start3A_468 = tpu.memref_squeeze %dma_start3A_467 : memref<1x64x128xf32, #tpu.memory_space<vmem>> -> memref<64x128xf32, #tpu.memory_space<vmem>>
      %dma_start3A_469 = arith.constant 0 : i32
      %dma_start3A_470 = tpu.memref_slice %arg6[%dma_start3A_469, %multiple_of3A_461] : memref<64x1000000xf32, #tpu.memory_space<hbm>> -> memref<64x128xf32, #tpu.memory_space<hbm>>
      %dma_start3A_471 = arith.constant 0 : i32
      %dma_start3A_472 = arith.constant 0 : i32
      %dma_start3A_473 = tpu.memref_slice %arg14[%rem3A_464, %dma_start3A_471, %dma_start3A_472] : memref<6x64x128xf32, #tpu.memory_space<vmem>> -> memref<1x64x128xf32, #tpu.memory_space<vmem>>
      %dma_start3A_474 = tpu.memref_squeeze %dma_start3A_473 : memref<1x64x128xf32, #tpu.memory_space<vmem>> -> memref<64x128xf32, #tpu.memory_space<vmem>>
      %dma_start3A_475 = arith.constant 0 : i32
      %dma_start3A_476 = tpu.memref_slice %arg6[%dma_start3A_475, %multiple_of3A_461] : memref<64x1000000xf32, #tpu.memory_space<hbm>> -> memref<64x128xf32, #tpu.memory_space<hbm>>
      tpu.enqueue_dma source(%dma_start3A_476 : memref<64x128xf32, #tpu.memory_space<hbm>>) target(%dma_start3A_474 : memref<64x128xf32, #tpu.memory_space<vmem>>) target_semaphore(%arg16 : memref<!tpu.dma_semaphore, #tpu.memory_space<semaphore_mem>>)
    } else {
    }
    %dma_wait3A = arith.constant 0 : i32
    %dma_wait3A_108 = arith.constant 0 : i32
    %dma_wait3A_109 = arith.constant 0 : i32
    %dma_wait3A_110 = tpu.memref_slice %arg14[%dma_wait3A, %dma_wait3A_108, %dma_wait3A_109] : memref<6x64x128xf32, #tpu.memory_space<vmem>> -> memref<1x64x128xf32, #tpu.memory_space<vmem>>
    %dma_wait3A_111 = tpu.memref_squeeze %dma_wait3A_110 : memref<1x64x128xf32, #tpu.memory_space<vmem>> -> memref<64x128xf32, #tpu.memory_space<vmem>>
    %dma_wait3A_112 = arith.constant 0 : i32
    %dma_wait3A_113 = arith.constant 0 : i32
    %dma_wait3A_114 = tpu.memref_slice %arg6[%dma_wait3A_112, %dma_wait3A_113] : memref<64x1000000xf32, #tpu.memory_space<hbm>> -> memref<64x128xf32, #tpu.memory_space<hbm>>
    %dma_wait3A_115 = arith.constant 0 : i32
    %dma_wait3A_116 = arith.constant 0 : i32
    %dma_wait3A_117 = tpu.memref_slice %arg14[%dma_wait3A, %dma_wait3A_115, %dma_wait3A_116] : memref<6x64x128xf32, #tpu.memory_space<vmem>> -> memref<1x64x128xf32, #tpu.memory_space<vmem>>
    %dma_wait3A_118 = tpu.memref_squeeze %dma_wait3A_117 : memref<1x64x128xf32, #tpu.memory_space<vmem>> -> memref<64x128xf32, #tpu.memory_space<vmem>>
    %dma_wait3A_119 = arith.constant 0 : i32
    %dma_wait3A_120 = arith.constant 0 : i32
    %dma_wait3A_121 = tpu.memref_slice %arg6[%dma_wait3A_119, %dma_wait3A_120] : memref<64x1000000xf32, #tpu.memory_space<hbm>> -> memref<64x128xf32, #tpu.memory_space<hbm>>
    tpu.wait_dma2 semaphore(%arg16 : memref<!tpu.dma_semaphore, #tpu.memory_space<semaphore_mem>>) src(%dma_wait3A_121 : memref<64x128xf32, #tpu.memory_space<hbm>>) dst(%dma_wait3A_118 : memref<64x128xf32, #tpu.memory_space<vmem>>)
    %sub3A_122 = arith.constant 1 : i32
    %sub3A_123 = arith.subi %add3A_67, %sub3A_122 : i32
    %add3A_124 = arith.constant 512 : i32
    %add3A_125 = arith.addi %sub3A_123, %add3A_124 : i32
    %sub3A_126 = arith.constant 0 : i32
    %sub3A_127 = arith.subi %add3A_125, %sub3A_126 : i32
    %sub3A_128 = arith.constant 1 : i32
    %sub3A_129 = arith.constant 1 : i32
    %sub3A_130 = arith.subi %sub3A_128, %sub3A_129 : i32
    %add3A_131 = arith.addi %sub3A_127, %sub3A_130 : i32
    %div3A_132 = arith.constant 1 : i32
    %div3A_133 = arith.divsi %add3A_131, %div3A_132 : i32
    %while3A = arith.constant 1 : i32
    %while3A_134 = arith.constant 0 : i32
    %while3A_135 = arith.constant 0 : i32
    %while3A_136 = arith.constant 0 : i32
    %while3A_137 = arith.constant 0 : i32
    %while3A_138 = arith.subi %div3A_133, %while3A_135 : i32
    %while3A_139 = arith.addi %while3A_135, %while3A_138 : i32
    %while3A_140 = arith.constant 1 : i32
    %while3A_141 = arith.divsi %while3A_138, %while3A_140 : i32
    %while3A_142 = arith.muli %while3A_141, %while3A_140 : i32
    %while3A_143 = arith.addi %while3A_135, %while3A_142 : i32
    %while3A_144 = arith.constant 1 : i32
    %while3A_145:2 = scf.for %while3A_457 = %while3A_135 to %while3A_143 step %while3A_144 iter_args(%while3A_458 = %while3A_136, %while3A_459 = %while3A_137) -> (i32, i32)  : i32 {
      %mul3A_460 = arith.muli %while3A_457, %while3A : i32
      %add3A_461 = arith.addi %while3A_134, %mul3A_460 : i32
      %min3A_462 = arith.constant 511 : i32
      %min3A_463 = arith.minsi %while3A_458, %min3A_462 : i32
      %get3A_464 = arith.index_cast %min3A_463 : i32 to index
      %get3A_465 = tpu.vector_load %arg10[%get3A_464] {strides = array<i32>} : memref<528xi32, #tpu.memory_space<vmem>>, vector<16xi32>,
      %slice3A_466 = vector.extract_strided_slice %get3A_465 {offsets = [0], sizes = [1], strides = [1]} : vector<16xi32> to vector<1xi32>
      %squeeze3A_467 = vector.extract %slice3A_466[0] : i32 from vector<1xi32>
      %mul3A_468 = arith.constant 128 : i32
      %mul3A_469 = arith.muli %while3A_459, %mul3A_468 : i32
      %add3A_470 = arith.addi %multiple_of3A, %mul3A_469 : i32
      %min3A_471 = arith.constant 999936 : i32
      %min3A_472 = arith.minsi %add3A_470, %min3A_471 : i32
      %multiple_of3A_473 = tpu.assume_multiple %min3A_472, 128 : i32
      %lt3A = arith.constant 512 : i32
      %lt3A_474 = arith.cmpi slt, %while3A_458, %lt3A : i32
      %add3A_475 = arith.constant 128 : i32
      %add3A_476 = arith.addi %multiple_of3A_473, %add3A_475 : i32
      %lt3A_477 = arith.cmpi slt, %squeeze3A_467, %add3A_476 : i32
      %and3A_478 = arith.andi %lt3A_474, %lt3A_477 : i1
      %sub3A_479 = arith.subi %squeeze3A_467, %multiple_of3A_473 : i32
      %jit3A_480 = arith.constant 0 : i32
      %jit3A_481 = arith.constant 127 : i32
      %max3A = arith.maxsi %jit3A_480, %sub3A_479 : i32
      %min3A_482 = arith.minsi %jit3A_481, %max3A : i32
      %jit3A_483 = arith.constant 512 : i32
      %select_n3A_484 = arith.select %and3A_478, %while3A_458, %jit3A_483 : i32
      %rem3A_485 = arith.constant 6 : i32
      %rem3A_486 = arith.remsi %while3A_459, %rem3A_485 : i32
      %broadcast_in_dim3A = vector.broadcast %min3A_482 : i32 to vector<16xi32>
      %gather3A = arith.constant 0 : i32
      %gather3A_487 = arith.constant 0 : i32
      %gather3A_488 = tpu.memref_slice %arg14[%rem3A_486, %gather3A, %gather3A_487] : memref<6x64x128xf32, #tpu.memory_space<vmem>> -> memref<1x64x128xf32, #tpu.memory_space<vmem>>
      %gather3A_489 = tpu.memref_squeeze %gather3A_488 : memref<1x64x128xf32, #tpu.memory_space<vmem>> -> memref<64x128xf32, #tpu.memory_space<vmem>>
      %gather3A_490 = tpu.vector_load_idx %gather3A_489[%add3A_5, %broadcast_in_dim3A] : memref<64x128xf32, #tpu.memory_space<vmem>>[vector<16xi32>, vector<16xi32>], vector<16xf32>,
      %broadcast_in_dim3A_491 = vector.broadcast %select_n3A_484 : i32 to vector<16xi32>
      tpu.vector_store_idx %arg15[%broadcast_in_dim3A_491, %add3A_5], %gather3A_490 : memref<520x128xf32, #tpu.memory_space<vmem>>[vector<16xi32>, vector<16xi32>], vector<16xf32>,
      %broadcast_in_dim3A_492 = vector.broadcast %min3A_482 : i32 to vector<16xi32>
      %gather3A_493 = arith.constant 0 : i32
      %gather3A_494 = arith.constant 0 : i32
      %gather3A_495 = tpu.memref_slice %arg14[%rem3A_486, %gather3A_493, %gather3A_494] : memref<6x64x128xf32, #tpu.memory_space<vmem>> -> memref<1x64x128xf32, #tpu.memory_space<vmem>>
      %gather3A_496 = tpu.memref_squeeze %gather3A_495 : memref<1x64x128xf32, #tpu.memory_space<vmem>> -> memref<64x128xf32, #tpu.memory_space<vmem>>
      %gather3A_497 = tpu.vector_load_idx %gather3A_496[%add3A_9, %broadcast_in_dim3A_492] : memref<64x128xf32, #tpu.memory_space<vmem>>[vector<16xi32>, vector<16xi32>], vector<16xf32>,
      %broadcast_in_dim3A_498 = vector.broadcast %select_n3A_484 : i32 to vector<16xi32>
      tpu.vector_store_idx %arg15[%broadcast_in_dim3A_498, %add3A_9], %gather3A_497 : memref<520x128xf32, #tpu.memory_space<vmem>>[vector<16xi32>, vector<16xi32>], vector<16xf32>,
      %broadcast_in_dim3A_499 = vector.broadcast %min3A_482 : i32 to vector<16xi32>
      %gather3A_500 = arith.constant 0 : i32
      %gather3A_501 = arith.constant 0 : i32
      %gather3A_502 = tpu.memref_slice %arg14[%rem3A_486, %gather3A_500, %gather3A_501] : memref<6x64x128xf32, #tpu.memory_space<vmem>> -> memref<1x64x128xf32, #tpu.memory_space<vmem>>
      %gather3A_503 = tpu.memref_squeeze %gather3A_502 : memref<1x64x128xf32, #tpu.memory_space<vmem>> -> memref<64x128xf32, #tpu.memory_space<vmem>>
      %gather3A_504 = tpu.vector_load_idx %gather3A_503[%add3A_13, %broadcast_in_dim3A_499] : memref<64x128xf32, #tpu.memory_space<vmem>>[vector<16xi32>, vector<16xi32>], vector<16xf32>,
      %broadcast_in_dim3A_505 = vector.broadcast %select_n3A_484 : i32 to vector<16xi32>
      tpu.vector_store_idx %arg15[%broadcast_in_dim3A_505, %add3A_13], %gather3A_504 : memref<520x128xf32, #tpu.memory_space<vmem>>[vector<16xi32>, vector<16xi32>], vector<16xf32>,
      %broadcast_in_dim3A_506 = vector.broadcast %min3A_482 : i32 to vector<16xi32>
      %gather3A_507 = arith.constant 0 : i32
      %gather3A_508 = arith.constant 0 : i32
      %gather3A_509 = tpu.memref_slice %arg14[%rem3A_486, %gather3A_507, %gather3A_508] : memref<6x64x128xf32, #tpu.memory_space<vmem>> -> memref<1x64x128xf32, #tpu.memory_space<vmem>>
      %gather3A_510 = tpu.memref_squeeze %gather3A_509 : memref<1x64x128xf32, #tpu.memory_space<vmem>> -> memref<64x128xf32, #tpu.memory_space<vmem>>
      %gather3A_511 = tpu.vector_load_idx %gather3A_510[%add3A_17, %broadcast_in_dim3A_506] : memref<64x128xf32, #tpu.memory_space<vmem>>[vector<16xi32>, vector<16xi32>], vector<16xf32>,
      %broadcast_in_dim3A_512 = vector.broadcast %select_n3A_484 : i32 to vector<16xi32>
      tpu.vector_store_idx %arg15[%broadcast_in_dim3A_512, %add3A_17], %gather3A_511 : memref<520x128xf32, #tpu.memory_space<vmem>>[vector<16xi32>, vector<16xi32>], vector<16xf32>,
      %not3A = arith.constant true
      %not3A_513 = arith.xori %and3A_478, %not3A : i1
      %add3A_514 = arith.constant 1 : i32
      %add3A_515 = arith.addi %while3A_459, %add3A_514 : i32
      %lt3A_516 = arith.cmpi slt, %add3A_515, %add3A_67 : i32
      %and3A_517 = arith.andi %not3A_513, %lt3A_516 : i1
      %convert_element_type3A_518 = arith.extui %and3A_517 : i1 to i32
      %cond3A_519 = arith.constant 0 : i32
      %cond3A_520 = arith.cmpi ne, %convert_element_type3A_518, %cond3A_519 : i32
      scf.if %cond3A_520 {
        %dma_wait3A_532 = arith.constant 0 : i32
        %dma_wait3A_533 = arith.constant 0 : i32
        %dma_wait3A_534 = arith.constant 0 : i32
        %dma_wait3A_535 = tpu.memref_slice %arg14[%dma_wait3A_532, %dma_wait3A_533, %dma_wait3A_534] : memref<6x64x128xf32, #tpu.memory_space<vmem>> -> memref<1x64x128xf32, #tpu.memory_space<vmem>>
        %dma_wait3A_536 = tpu.memref_squeeze %dma_wait3A_535 : memref<1x64x128xf32, #tpu.memory_space<vmem>> -> memref<64x128xf32, #tpu.memory_space<vmem>>
        %dma_wait3A_537 = arith.constant 0 : i32
        %dma_wait3A_538 = arith.constant 0 : i32
        %dma_wait3A_539 = tpu.memref_slice %arg6[%dma_wait3A_537, %dma_wait3A_538] : memref<64x1000000xf32, #tpu.memory_space<hbm>> -> memref<64x128xf32, #tpu.memory_space<hbm>>
        %dma_wait3A_540 = arith.constant 0 : i32
        %dma_wait3A_541 = arith.constant 0 : i32
        %dma_wait3A_542 = tpu.memref_slice %arg14[%dma_wait3A_532, %dma_wait3A_540, %dma_wait3A_541] : memref<6x64x128xf32, #tpu.memory_space<vmem>> -> memref<1x64x128xf32, #tpu.memory_space<vmem>>
        %dma_wait3A_543 = tpu.memref_squeeze %dma_wait3A_542 : memref<1x64x128xf32, #tpu.memory_space<vmem>> -> memref<64x128xf32, #tpu.memory_space<vmem>>
        %dma_wait3A_544 = arith.constant 0 : i32
        %dma_wait3A_545 = arith.constant 0 : i32
        %dma_wait3A_546 = tpu.memref_slice %arg6[%dma_wait3A_544, %dma_wait3A_545] : memref<64x1000000xf32, #tpu.memory_space<hbm>> -> memref<64x128xf32, #tpu.memory_space<hbm>>
        tpu.wait_dma2 semaphore(%arg16 : memref<!tpu.dma_semaphore, #tpu.memory_space<semaphore_mem>>) src(%dma_wait3A_546 : memref<64x128xf32, #tpu.memory_space<hbm>>) dst(%dma_wait3A_543 : memref<64x128xf32, #tpu.memory_space<vmem>>)
      } else {
      }
      %add3A_521 = arith.constant 6 : i32
      %add3A_522 = arith.addi %while3A_459, %add3A_521 : i32
      %lt3A_523 = arith.cmpi slt, %add3A_522, %add3A_67 : i32
      %and3A_524 = arith.andi %and3A_517, %lt3A_523 : i1
      %convert_element_type3A_525 = arith.extui %and3A_524 : i1 to i32
      %cond3A_526 = arith.constant 0 : i32
      %cond3A_527 = arith.cmpi ne, %convert_element_type3A_525, %cond3A_526 : i32
      scf.if %cond3A_527 {
        %add3A_532 = arith.constant 6 : i32
        %add3A_533 = arith.addi %while3A_459, %add3A_532 : i32
        %mul3A_534 = arith.constant 128 : i32
        %mul3A_535 = arith.muli %add3A_533, %mul3A_534 : i32
        %add3A_536 = arith.addi %multiple_of3A, %mul3A_535 : i32
        %min3A_537 = arith.constant 999936 : i32
        %min3A_538 = arith.minsi %add3A_536, %min3A_537 : i32
        %multiple_of3A_539 = tpu.assume_multiple %min3A_538, 128 : i32
        %rem3A_540 = arith.constant 6 : i32
        %rem3A_541 = arith.remsi %add3A_533, %rem3A_540 : i32
        %dma_start3A_542 = arith.constant 0 : i32
        %dma_start3A_543 = arith.constant 0 : i32
        %dma_start3A_544 = tpu.memref_slice %arg14[%rem3A_541, %dma_start3A_542, %dma_start3A_543] : memref<6x64x128xf32, #tpu.memory_space<vmem>> -> memref<1x64x128xf32, #tpu.memory_space<vmem>>
        %dma_start3A_545 = tpu.memref_squeeze %dma_start3A_544 : memref<1x64x128xf32, #tpu.memory_space<vmem>> -> memref<64x128xf32, #tpu.memory_space<vmem>>
        %dma_start3A_546 = arith.constant 0 : i32
        %dma_start3A_547 = tpu.memref_slice %arg6[%dma_start3A_546, %multiple_of3A_539] : memref<64x1000000xf32, #tpu.memory_space<hbm>> -> memref<64x128xf32, #tpu.memory_space<hbm>>
        %dma_start3A_548 = arith.constant 0 : i32
        %dma_start3A_549 = arith.constant 0 : i32
        %dma_start3A_550 = tpu.memref_slice %arg14[%rem3A_541, %dma_start3A_548, %dma_start3A_549] : memref<6x64x128xf32, #tpu.memory_space<vmem>> -> memref<1x64x128xf32, #tpu.memory_space<vmem>>
        %dma_start3A_551 = tpu.memref_squeeze %dma_start3A_550 : memref<1x64x128xf32, #tpu.memory_space<vmem>> -> memref<64x128xf32, #tpu.memory_space<vmem>>
        %dma_start3A_552 = arith.constant 0 : i32
        %dma_start3A_553 = tpu.memref_slice %arg6[%dma_start3A_552, %multiple_of3A_539] : memref<64x1000000xf32, #tpu.memory_space<hbm>> -> memref<64x128xf32, #tpu.memory_space<hbm>>
        tpu.enqueue_dma source(%dma_start3A_553 : memref<64x128xf32, #tpu.memory_space<hbm>>) target(%dma_start3A_551 : memref<64x128xf32, #tpu.memory_space<vmem>>) target_semaphore(%arg16 : memref<!tpu.dma_semaphore, #tpu.memory_space<semaphore_mem>>)
      } else {
      }
      %convert_element_type3A_528 = arith.extui %and3A_478 : i1 to i32
      %add3A_529 = arith.addi %while3A_458, %convert_element_type3A_528 : i32
      %convert_element_type3A_530 = arith.extui %and3A_517 : i1 to i32
      %add3A_531 = arith.addi %while3A_459, %convert_element_type3A_530 : i32
      scf.yield %add3A_529, %add3A_531 : i32, i32
    }
    %while3A_146 = arith.constant 1 : i32
    %while3A_147:2 = scf.for %while3A_457 = %while3A_143 to %while3A_139 step %while3A_146 iter_args(%while3A_458 = %while3A_145#0, %while3A_459 = %while3A_145#1) -> (i32, i32)  : i32 {
      %mul3A_460 = arith.muli %while3A_457, %while3A : i32
      %add3A_461 = arith.addi %while3A_134, %mul3A_460 : i32
      %min3A_462 = arith.constant 511 : i32
      %min3A_463 = arith.minsi %while3A_458, %min3A_462 : i32
      %get3A_464 = arith.index_cast %min3A_463 : i32 to index
      %get3A_465 = tpu.vector_load %arg10[%get3A_464] {strides = array<i32>} : memref<528xi32, #tpu.memory_space<vmem>>, vector<16xi32>,
      %slice3A_466 = vector.extract_strided_slice %get3A_465 {offsets = [0], sizes = [1], strides = [1]} : vector<16xi32> to vector<1xi32>
      %squeeze3A_467 = vector.extract %slice3A_466[0] : i32 from vector<1xi32>
      %mul3A_468 = arith.constant 128 : i32
      %mul3A_469 = arith.muli %while3A_459, %mul3A_468 : i32
      %add3A_470 = arith.addi %multiple_of3A, %mul3A_469 : i32
      %min3A_471 = arith.constant 999936 : i32
      %min3A_472 = arith.minsi %add3A_470, %min3A_471 : i32
      %multiple_of3A_473 = tpu.assume_multiple %min3A_472, 128 : i32
      %lt3A = arith.constant 512 : i32
      %lt3A_474 = arith.cmpi slt, %while3A_458, %lt3A : i32
      %add3A_475 = arith.constant 128 : i32
      %add3A_476 = arith.addi %multiple_of3A_473, %add3A_475 : i32
      %lt3A_477 = arith.cmpi slt, %squeeze3A_467, %add3A_476 : i32
      %and3A_478 = arith.andi %lt3A_474, %lt3A_477 : i1
      %sub3A_479 = arith.subi %squeeze3A_467, %multiple_of3A_473 : i32
      %jit3A_480 = arith.constant 0 : i32
      %jit3A_481 = arith.constant 127 : i32
      %max3A = arith.maxsi %jit3A_480, %sub3A_479 : i32
      %min3A_482 = arith.minsi %jit3A_481, %max3A : i32
      %jit3A_483 = arith.constant 512 : i32
      %select_n3A_484 = arith.select %and3A_478, %while3A_458, %jit3A_483 : i32
      %rem3A_485 = arith.constant 6 : i32
      %rem3A_486 = arith.remsi %while3A_459, %rem3A_485 : i32
      %broadcast_in_dim3A = vector.broadcast %min3A_482 : i32 to vector<16xi32>
      %gather3A = arith.constant 0 : i32
      %gather3A_487 = arith.constant 0 : i32
      %gather3A_488 = tpu.memref_slice %arg14[%rem3A_486, %gather3A, %gather3A_487] : memref<6x64x128xf32, #tpu.memory_space<vmem>> -> memref<1x64x128xf32, #tpu.memory_space<vmem>>
      %gather3A_489 = tpu.memref_squeeze %gather3A_488 : memref<1x64x128xf32, #tpu.memory_space<vmem>> -> memref<64x128xf32, #tpu.memory_space<vmem>>
      %gather3A_490 = tpu.vector_load_idx %gather3A_489[%add3A_5, %broadcast_in_dim3A] : memref<64x128xf32, #tpu.memory_space<vmem>>[vector<16xi32>, vector<16xi32>], vector<16xf32>,
      %broadcast_in_dim3A_491 = vector.broadcast %select_n3A_484 : i32 to vector<16xi32>
      tpu.vector_store_idx %arg15[%broadcast_in_dim3A_491, %add3A_5], %gather3A_490 : memref<520x128xf32, #tpu.memory_space<vmem>>[vector<16xi32>, vector<16xi32>], vector<16xf32>,
      %broadcast_in_dim3A_492 = vector.broadcast %min3A_482 : i32 to vector<16xi32>
      %gather3A_493 = arith.constant 0 : i32
      %gather3A_494 = arith.constant 0 : i32
      %gather3A_495 = tpu.memref_slice %arg14[%rem3A_486, %gather3A_493, %gather3A_494] : memref<6x64x128xf32, #tpu.memory_space<vmem>> -> memref<1x64x128xf32, #tpu.memory_space<vmem>>
      %gather3A_496 = tpu.memref_squeeze %gather3A_495 : memref<1x64x128xf32, #tpu.memory_space<vmem>> -> memref<64x128xf32, #tpu.memory_space<vmem>>
      %gather3A_497 = tpu.vector_load_idx %gather3A_496[%add3A_9, %broadcast_in_dim3A_492] : memref<64x128xf32, #tpu.memory_space<vmem>>[vector<16xi32>, vector<16xi32>], vector<16xf32>,
      %broadcast_in_dim3A_498 = vector.broadcast %select_n3A_484 : i32 to vector<16xi32>
      tpu.vector_store_idx %arg15[%broadcast_in_dim3A_498, %add3A_9], %gather3A_497 : memref<520x128xf32, #tpu.memory_space<vmem>>[vector<16xi32>, vector<16xi32>], vector<16xf32>,
      %broadcast_in_dim3A_499 = vector.broadcast %min3A_482 : i32 to vector<16xi32>
      %gather3A_500 = arith.constant 0 : i32
      %gather3A_501 = arith.constant 0 : i32
      %gather3A_502 = tpu.memref_slice %arg14[%rem3A_486, %gather3A_500, %gather3A_501] : memref<6x64x128xf32, #tpu.memory_space<vmem>> -> memref<1x64x128xf32, #tpu.memory_space<vmem>>
      %gather3A_503 = tpu.memref_squeeze %gather3A_502 : memref<1x64x128xf32, #tpu.memory_space<vmem>> -> memref<64x128xf32, #tpu.memory_space<vmem>>
      %gather3A_504 = tpu.vector_load_idx %gather3A_503[%add3A_13, %broadcast_in_dim3A_499] : memref<64x128xf32, #tpu.memory_space<vmem>>[vector<16xi32>, vector<16xi32>], vector<16xf32>,
      %broadcast_in_dim3A_505 = vector.broadcast %select_n3A_484 : i32 to vector<16xi32>
      tpu.vector_store_idx %arg15[%broadcast_in_dim3A_505, %add3A_13], %gather3A_504 : memref<520x128xf32, #tpu.memory_space<vmem>>[vector<16xi32>, vector<16xi32>], vector<16xf32>,
      %broadcast_in_dim3A_506 = vector.broadcast %min3A_482 : i32 to vector<16xi32>
      %gather3A_507 = arith.constant 0 : i32
      %gather3A_508 = arith.constant 0 : i32
      %gather3A_509 = tpu.memref_slice %arg14[%rem3A_486, %gather3A_507, %gather3A_508] : memref<6x64x128xf32, #tpu.memory_space<vmem>> -> memref<1x64x128xf32, #tpu.memory_space<vmem>>
      %gather3A_510 = tpu.memref_squeeze %gather3A_509 : memref<1x64x128xf32, #tpu.memory_space<vmem>> -> memref<64x128xf32, #tpu.memory_space<vmem>>
      %gather3A_511 = tpu.vector_load_idx %gather3A_510[%add3A_17, %broadcast_in_dim3A_506] : memref<64x128xf32, #tpu.memory_space<vmem>>[vector<16xi32>, vector<16xi32>], vector<16xf32>,
      %broadcast_in_dim3A_512 = vector.broadcast %select_n3A_484 : i32 to vector<16xi32>
      tpu.vector_store_idx %arg15[%broadcast_in_dim3A_512, %add3A_17], %gather3A_511 : memref<520x128xf32, #tpu.memory_space<vmem>>[vector<16xi32>, vector<16xi32>], vector<16xf32>,
      %not3A = arith.constant true
      %not3A_513 = arith.xori %and3A_478, %not3A : i1
      %add3A_514 = arith.constant 1 : i32
      %add3A_515 = arith.addi %while3A_459, %add3A_514 : i32
      %lt3A_516 = arith.cmpi slt, %add3A_515, %add3A_67 : i32
      %and3A_517 = arith.andi %not3A_513, %lt3A_516 : i1
      %convert_element_type3A_518 = arith.extui %and3A_517 : i1 to i32
      %cond3A_519 = arith.constant 0 : i32
      %cond3A_520 = arith.cmpi ne, %convert_element_type3A_518, %cond3A_519 : i32
      scf.if %cond3A_520 {
        %dma_wait3A_532 = arith.constant 0 : i32
        %dma_wait3A_533 = arith.constant 0 : i32
        %dma_wait3A_534 = arith.constant 0 : i32
        %dma_wait3A_535 = tpu.memref_slice %arg14[%dma_wait3A_532, %dma_wait3A_533, %dma_wait3A_534] : memref<6x64x128xf32, #tpu.memory_space<vmem>> -> memref<1x64x128xf32, #tpu.memory_space<vmem>>
        %dma_wait3A_536 = tpu.memref_squeeze %dma_wait3A_535 : memref<1x64x128xf32, #tpu.memory_space<vmem>> -> memref<64x128xf32, #tpu.memory_space<vmem>>
        %dma_wait3A_537 = arith.constant 0 : i32
        %dma_wait3A_538 = arith.constant 0 : i32
        %dma_wait3A_539 = tpu.memref_slice %arg6[%dma_wait3A_537, %dma_wait3A_538] : memref<64x1000000xf32, #tpu.memory_space<hbm>> -> memref<64x128xf32, #tpu.memory_space<hbm>>
        %dma_wait3A_540 = arith.constant 0 : i32
        %dma_wait3A_541 = arith.constant 0 : i32
        %dma_wait3A_542 = tpu.memref_slice %arg14[%dma_wait3A_532, %dma_wait3A_540, %dma_wait3A_541] : memref<6x64x128xf32, #tpu.memory_space<vmem>> -> memref<1x64x128xf32, #tpu.memory_space<vmem>>
        %dma_wait3A_543 = tpu.memref_squeeze %dma_wait3A_542 : memref<1x64x128xf32, #tpu.memory_space<vmem>> -> memref<64x128xf32, #tpu.memory_space<vmem>>
        %dma_wait3A_544 = arith.constant 0 : i32
        %dma_wait3A_545 = arith.constant 0 : i32
        %dma_wait3A_546 = tpu.memref_slice %arg6[%dma_wait3A_544, %dma_wait3A_545] : memref<64x1000000xf32, #tpu.memory_space<hbm>> -> memref<64x128xf32, #tpu.memory_space<hbm>>
        tpu.wait_dma2 semaphore(%arg16 : memref<!tpu.dma_semaphore, #tpu.memory_space<semaphore_mem>>) src(%dma_wait3A_546 : memref<64x128xf32, #tpu.memory_space<hbm>>) dst(%dma_wait3A_543 : memref<64x128xf32, #tpu.memory_space<vmem>>)
      } else {
      }
      %add3A_521 = arith.constant 6 : i32
      %add3A_522 = arith.addi %while3A_459, %add3A_521 : i32
      %lt3A_523 = arith.cmpi slt, %add3A_522, %add3A_67 : i32
      %and3A_524 = arith.andi %and3A_517, %lt3A_523 : i1
      %convert_element_type3A_525 = arith.extui %and3A_524 : i1 to i32
      %cond3A_526 = arith.constant 0 : i32
      %cond3A_527 = arith.cmpi ne, %convert_element_type3A_525, %cond3A_526 : i32
      scf.if %cond3A_527 {
        %add3A_532 = arith.constant 6 : i32
        %add3A_533 = arith.addi %while3A_459, %add3A_532 : i32
        %mul3A_534 = arith.constant 128 : i32
        %mul3A_535 = arith.muli %add3A_533, %mul3A_534 : i32
        %add3A_536 = arith.addi %multiple_of3A, %mul3A_535 : i32
        %min3A_537 = arith.constant 999936 : i32
        %min3A_538 = arith.minsi %add3A_536, %min3A_537 : i32
        %multiple_of3A_539 = tpu.assume_multiple %min3A_538, 128 : i32
        %rem3A_540 = arith.constant 6 : i32
        %rem3A_541 = arith.remsi %add3A_533, %rem3A_540 : i32
        %dma_start3A_542 = arith.constant 0 : i32
        %dma_start3A_543 = arith.constant 0 : i32
        %dma_start3A_544 = tpu.memref_slice %arg14[%rem3A_541, %dma_start3A_542, %dma_start3A_543] : memref<6x64x128xf32, #tpu.memory_space<vmem>> -> memref<1x64x128xf32, #tpu.memory_space<vmem>>
        %dma_start3A_545 = tpu.memref_squeeze %dma_start3A_544 : memref<1x64x128xf32, #tpu.memory_space<vmem>> -> memref<64x128xf32, #tpu.memory_space<vmem>>
        %dma_start3A_546 = arith.constant 0 : i32
        %dma_start3A_547 = tpu.memref_slice %arg6[%dma_start3A_546, %multiple_of3A_539] : memref<64x1000000xf32, #tpu.memory_space<hbm>> -> memref<64x128xf32, #tpu.memory_space<hbm>>
        %dma_start3A_548 = arith.constant 0 : i32
        %dma_start3A_549 = arith.constant 0 : i32
        %dma_start3A_550 = tpu.memref_slice %arg14[%rem3A_541, %dma_start3A_548, %dma_start3A_549] : memref<6x64x128xf32, #tpu.memory_space<vmem>> -> memref<1x64x128xf32, #tpu.memory_space<vmem>>
        %dma_start3A_551 = tpu.memref_squeeze %dma_start3A_550 : memref<1x64x128xf32, #tpu.memory_space<vmem>> -> memref<64x128xf32, #tpu.memory_space<vmem>>
        %dma_start3A_552 = arith.constant 0 : i32
        %dma_start3A_553 = tpu.memref_slice %arg6[%dma_start3A_552, %multiple_of3A_539] : memref<64x1000000xf32, #tpu.memory_space<hbm>> -> memref<64x128xf32, #tpu.memory_space<hbm>>
        tpu.enqueue_dma source(%dma_start3A_553 : memref<64x128xf32, #tpu.memory_space<hbm>>) target(%dma_start3A_551 : memref<64x128xf32, #tpu.memory_space<vmem>>) target_semaphore(%arg16 : memref<!tpu.dma_semaphore, #tpu.memory_space<semaphore_mem>>)
      } else {
      }
      %convert_element_type3A_528 = arith.extui %and3A_478 : i1 to i32
      %add3A_529 = arith.addi %while3A_458, %convert_element_type3A_528 : i32
      %convert_element_type3A_530 = arith.extui %and3A_517 : i1 to i32
      %add3A_531 = arith.addi %while3A_459, %convert_element_type3A_530 : i32
      scf.yield %add3A_529, %add3A_531 : i32, i32
    }
    %dma_start3A_148 = arith.constant 0 : i32
    %dma_start3A_149 = arith.constant 0 : i32
    %dma_start3A_150 = arith.constant 0 : i32
    %dma_start3A_151 = tpu.memref_slice %arg15[%dma_start3A_149, %dma_start3A_150] : memref<520x128xf32, #tpu.memory_space<vmem>> -> memref<128x128xf32, #tpu.memory_space<vmem>>
    %dma_start3A_152 = arith.constant 0 : i32
    %dma_start3A_153 = tpu.memref_slice %arg12[%dma_start3A_148, %dma_start3A_152] : memref<4x128xi32, #tpu.memory_space<vmem>> -> memref<1x128xi32, #tpu.memory_space<vmem>>
    %dma_start3A_154 = tpu.memref_squeeze %dma_start3A_153 : memref<1x128xi32, #tpu.memory_space<vmem>> -> memref<128xi32, #tpu.memory_space<vmem>>
    %dma_start3A_155 = arith.constant 0 : i32
    %dma_start3A_156 = arith.constant 0 : i32
    %dma_start3A_157 = tpu.memref_slice %arg8[%dma_start3A_155, %dma_start3A_156] : memref<16384x128xf32, #tpu.memory_space<hbm>> -> memref<16384x128xf32, #tpu.memory_space<hbm>>
    tpu.enqueue_indirect_dma source(%dma_start3A_151 : memref<128x128xf32, #tpu.memory_space<vmem>>) target(%dma_start3A_157 : memref<16384x128xf32, #tpu.memory_space<hbm>>) offsets(%dma_start3A_154 : memref<128xi32, #tpu.memory_space<vmem>>) semaphore(%arg17 : memref<!tpu.dma_semaphore, #tpu.memory_space<semaphore_mem>>)
    %dma_start3A_158 = arith.constant 1 : i32
    %dma_start3A_159 = arith.constant 128 : i32
    %dma_start3A_160 = arith.constant 0 : i32
    %dma_start3A_161 = tpu.memref_slice %arg15[%dma_start3A_159, %dma_start3A_160] : memref<520x128xf32, #tpu.memory_space<vmem>> -> memref<128x128xf32, #tpu.memory_space<vmem>>
    %dma_start3A_162 = arith.constant 0 : i32
    %dma_start3A_163 = tpu.memref_slice %arg12[%dma_start3A_158, %dma_start3A_162] : memref<4x128xi32, #tpu.memory_space<vmem>> -> memref<1x128xi32, #tpu.memory_space<vmem>>
    %dma_start3A_164 = tpu.memref_squeeze %dma_start3A_163 : memref<1x128xi32, #tpu.memory_space<vmem>> -> memref<128xi32, #tpu.memory_space<vmem>>
    %dma_start3A_165 = arith.constant 0 : i32
    %dma_start3A_166 = arith.constant 0 : i32
    %dma_start3A_167 = tpu.memref_slice %arg8[%dma_start3A_165, %dma_start3A_166] : memref<16384x128xf32, #tpu.memory_space<hbm>> -> memref<16384x128xf32, #tpu.memory_space<hbm>>
    tpu.enqueue_indirect_dma source(%dma_start3A_161 : memref<128x128xf32, #tpu.memory_space<vmem>>) target(%dma_start3A_167 : memref<16384x128xf32, #tpu.memory_space<hbm>>) offsets(%dma_start3A_164 : memref<128xi32, #tpu.memory_space<vmem>>) semaphore(%arg17 : memref<!tpu.dma_semaphore, #tpu.memory_space<semaphore_mem>>)
    %dma_start3A_168 = arith.constant 2 : i32
    %dma_start3A_169 = arith.constant 256 : i32
    %dma_start3A_170 = arith.constant 0 : i32
    %dma_start3A_171 = tpu.memref_slice %arg15[%dma_start3A_169, %dma_start3A_170] : memref<520x128xf32, #tpu.memory_space<vmem>> -> memref<128x128xf32, #tpu.memory_space<vmem>>
    %dma_start3A_172 = arith.constant 0 : i32
    %dma_start3A_173 = tpu.memref_slice %arg12[%dma_start3A_168, %dma_start3A_172] : memref<4x128xi32, #tpu.memory_space<vmem>> -> memref<1x128xi32, #tpu.memory_space<vmem>>
    %dma_start3A_174 = tpu.memref_squeeze %dma_start3A_173 : memref<1x128xi32, #tpu.memory_space<vmem>> -> memref<128xi32, #tpu.memory_space<vmem>>
    %dma_start3A_175 = arith.constant 0 : i32
    %dma_start3A_176 = arith.constant 0 : i32
    %dma_start3A_177 = tpu.memref_slice %arg8[%dma_start3A_175, %dma_start3A_176] : memref<16384x128xf32, #tpu.memory_space<hbm>> -> memref<16384x128xf32, #tpu.memory_space<hbm>>
    tpu.enqueue_indirect_dma source(%dma_start3A_171 : memref<128x128xf32, #tpu.memory_space<vmem>>) target(%dma_start3A_177 : memref<16384x128xf32, #tpu.memory_space<hbm>>) offsets(%dma_start3A_174 : memref<128xi32, #tpu.memory_space<vmem>>) semaphore(%arg17 : memref<!tpu.dma_semaphore, #tpu.memory_space<semaphore_mem>>)
    %dma_start3A_178 = arith.constant 3 : i32
    %dma_start3A_179 = arith.constant 384 : i32
    %dma_start3A_180 = arith.constant 0 : i32
    %dma_start3A_181 = tpu.memref_slice %arg15[%dma_start3A_179, %dma_start3A_180] : memref<520x128xf32, #tpu.memory_space<vmem>> -> memref<128x128xf32, #tpu.memory_space<vmem>>
    %dma_start3A_182 = arith.constant 0 : i32
    %dma_start3A_183 = tpu.memref_slice %arg12[%dma_start3A_178, %dma_start3A_182] : memref<4x128xi32, #tpu.memory_space<vmem>> -> memref<1x128xi32, #tpu.memory_space<vmem>>
    %dma_start3A_184 = tpu.memref_squeeze %dma_start3A_183 : memref<1x128xi32, #tpu.memory_space<vmem>> -> memref<128xi32, #tpu.memory_space<vmem>>
    %dma_start3A_185 = arith.constant 0 : i32
    %dma_start3A_186 = arith.constant 0 : i32
    %dma_start3A_187 = tpu.memref_slice %arg8[%dma_start3A_185, %dma_start3A_186] : memref<16384x128xf32, #tpu.memory_space<hbm>> -> memref<16384x128xf32, #tpu.memory_space<hbm>>
    tpu.enqueue_indirect_dma source(%dma_start3A_181 : memref<128x128xf32, #tpu.memory_space<vmem>>) target(%dma_start3A_187 : memref<16384x128xf32, #tpu.memory_space<hbm>>) offsets(%dma_start3A_184 : memref<128xi32, #tpu.memory_space<vmem>>) semaphore(%arg17 : memref<!tpu.dma_semaphore, #tpu.memory_space<semaphore_mem>>)
    %dma_wait3A_188 = arith.constant 0 : i32
    %dma_wait3A_189 = arith.constant 0 : i32
    %dma_wait3A_190 = arith.constant 0 : i32
    %dma_wait3A_191 = tpu.memref_slice %arg15[%dma_wait3A_189, %dma_wait3A_190] : memref<520x128xf32, #tpu.memory_space<vmem>> -> memref<128x128xf32, #tpu.memory_space<vmem>>
    %dma_wait3A_192 = arith.constant 0 : i32
    %dma_wait3A_193 = tpu.memref_slice %arg12[%dma_wait3A_188, %dma_wait3A_192] : memref<4x128xi32, #tpu.memory_space<vmem>> -> memref<1x128xi32, #tpu.memory_space<vmem>>
    %dma_wait3A_194 = tpu.memref_squeeze %dma_wait3A_193 : memref<1x128xi32, #tpu.memory_space<vmem>> -> memref<128xi32, #tpu.memory_space<vmem>>
    %dma_wait3A_195 = arith.constant 0 : i32
    %dma_wait3A_196 = arith.constant 0 : i32
    %dma_wait3A_197 = tpu.memref_slice %arg8[%dma_wait3A_195, %dma_wait3A_196] : memref<16384x128xf32, #tpu.memory_space<hbm>> -> memref<16384x128xf32, #tpu.memory_space<hbm>>
    tpu.wait_indirect_dma semaphore(%arg17 : memref<!tpu.dma_semaphore, #tpu.memory_space<semaphore_mem>>) src(%dma_wait3A_191 : memref<128x128xf32, #tpu.memory_space<vmem>>) dst(%dma_wait3A_197 : memref<16384x128xf32, #tpu.memory_space<hbm>>)
    %dma_wait3A_198 = arith.constant 0 : i32
    %dma_wait3A_199 = arith.constant 0 : i32
    %dma_wait3A_200 = arith.constant 0 : i32
    %dma_wait3A_201 = tpu.memref_slice %arg15[%dma_wait3A_199, %dma_wait3A_200] : memref<520x128xf32, #tpu.memory_space<vmem>> -> memref<128x128xf32, #tpu.memory_space<vmem>>
    %dma_wait3A_202 = arith.constant 0 : i32
    %dma_wait3A_203 = tpu.memref_slice %arg12[%dma_wait3A_198, %dma_wait3A_202] : memref<4x128xi32, #tpu.memory_space<vmem>> -> memref<1x128xi32, #tpu.memory_space<vmem>>
    %dma_wait3A_204 = tpu.memref_squeeze %dma_wait3A_203 : memref<1x128xi32, #tpu.memory_space<vmem>> -> memref<128xi32, #tpu.memory_space<vmem>>
    %dma_wait3A_205 = arith.constant 0 : i32
    %dma_wait3A_206 = arith.constant 0 : i32
    %dma_wait3A_207 = tpu.memref_slice %arg8[%dma_wait3A_205, %dma_wait3A_206] : memref<16384x128xf32, #tpu.memory_space<hbm>> -> memref<16384x128xf32, #tpu.memory_space<hbm>>
    tpu.wait_indirect_dma semaphore(%arg17 : memref<!tpu.dma_semaphore, #tpu.memory_space<semaphore_mem>>) src(%dma_wait3A_201 : memref<128x128xf32, #tpu.memory_space<vmem>>) dst(%dma_wait3A_207 : memref<16384x128xf32, #tpu.memory_space<hbm>>)
    %dma_wait3A_208 = arith.constant 0 : i32
    %dma_wait3A_209 = arith.constant 0 : i32
    %dma_wait3A_210 = arith.constant 0 : i32
    %dma_wait3A_211 = tpu.memref_slice %arg15[%dma_wait3A_209, %dma_wait3A_210] : memref<520x128xf32, #tpu.memory_space<vmem>> -> memref<128x128xf32, #tpu.memory_space<vmem>>
    %dma_wait3A_212 = arith.constant 0 : i32
    %dma_wait3A_213 = tpu.memref_slice %arg12[%dma_wait3A_208, %dma_wait3A_212] : memref<4x128xi32, #tpu.memory_space<vmem>> -> memref<1x128xi32, #tpu.memory_space<vmem>>
    %dma_wait3A_214 = tpu.memref_squeeze %dma_wait3A_213 : memref<1x128xi32, #tpu.memory_space<vmem>> -> memref<128xi32, #tpu.memory_space<vmem>>
    %dma_wait3A_215 = arith.constant 0 : i32
    %dma_wait3A_216 = arith.constant 0 : i32
    %dma_wait3A_217 = tpu.memref_slice %arg8[%dma_wait3A_215, %dma_wait3A_216] : memref<16384x128xf32, #tpu.memory_space<hbm>> -> memref<16384x128xf32, #tpu.memory_space<hbm>>
    tpu.wait_indirect_dma semaphore(%arg17 : memref<!tpu.dma_semaphore, #tpu.memory_space<semaphore_mem>>) src(%dma_wait3A_211 : memref<128x128xf32, #tpu.memory_space<vmem>>) dst(%dma_wait3A_217 : memref<16384x128xf32, #tpu.memory_space<hbm>>)
    %dma_wait3A_218 = arith.constant 0 : i32
    %dma_wait3A_219 = arith.constant 0 : i32
    %dma_wait3A_220 = arith.constant 0 : i32
    %dma_wait3A_221 = tpu.memref_slice %arg15[%dma_wait3A_219, %dma_wait3A_220] : memref<520x128xf32, #tpu.memory_space<vmem>> -> memref<128x128xf32, #tpu.memory_space<vmem>>
    %dma_wait3A_222 = arith.constant 0 : i32
    %dma_wait3A_223 = tpu.memref_slice %arg12[%dma_wait3A_218, %dma_wait3A_222] : memref<4x128xi32, #tpu.memory_space<vmem>> -> memref<1x128xi32, #tpu.memory_space<vmem>>
    %dma_wait3A_224 = tpu.memref_squeeze %dma_wait3A_223 : memref<1x128xi32, #tpu.memory_space<vmem>> -> memref<128xi32, #tpu.memory_space<vmem>>
    %dma_wait3A_225 = arith.constant 0 : i32
    %dma_wait3A_226 = arith.constant 0 : i32
    %dma_wait3A_227 = tpu.memref_slice %arg8[%dma_wait3A_225, %dma_wait3A_226] : memref<16384x128xf32, #tpu.memory_space<hbm>> -> memref<16384x128xf32, #tpu.memory_space<hbm>>
    tpu.wait_indirect_dma semaphore(%arg17 : memref<!tpu.dma_semaphore, #tpu.memory_space<semaphore_mem>>) src(%dma_wait3A_221 : memref<128x128xf32, #tpu.memory_space<vmem>>) dst(%dma_wait3A_227 : memref<16384x128xf32, #tpu.memory_space<hbm>>)
    %get3A_228 = arith.constant 0 : index
    %get3A_229 = tpu.vector_load %arg11[%get3A_228] {strides = array<i32>} : memref<528xi32, #tpu.memory_space<vmem>>, vector<16xi32>,
    %slice3A_230 = vector.extract_strided_slice %get3A_229 {offsets = [0], sizes = [1], strides = [1]} : vector<16xi32> to vector<1xi32>
    %squeeze3A_231 = vector.extract %slice3A_230[0] : i32 from vector<1xi32>
    %get3A_232 = arith.constant 511 : index
    %get3A_233 = tpu.vector_load %arg11[%get3A_232] {strides = array<i32>} : memref<528xi32, #tpu.memory_space<vmem>>, vector<16xi32>,
    %slice3A_234 = vector.extract_strided_slice %get3A_233 {offsets = [0], sizes = [1], strides = [1]} : vector<16xi32> to vector<1xi32>
    %squeeze3A_235 = vector.extract %slice3A_234[0] : i32 from vector<1xi32>
    %jit3A_236 = arith.constant 128 : i32
    %div3A_237 = arith.divsi %squeeze3A_231, %jit3A_236 : i32
    %sign3A_238 = arith.constant 0 : i32
    %sign3A_239 = arith.cmpi sgt, %squeeze3A_231, %sign3A_238 : i32
    %sign3A_240 = arith.extui %sign3A_239 : i1 to i32
    %sign3A_241 = arith.constant 0 : i32
    %sign3A_242 = arith.cmpi slt, %squeeze3A_231, %sign3A_241 : i32
    %sign3A_243 = arith.extui %sign3A_242 : i1 to i32
    %sign3A_244 = arith.subi %sign3A_240, %sign3A_243 : i32
    %sign3A_245 = arith.constant 0 : i32
    %sign3A_246 = arith.cmpi sgt, %jit3A_236, %sign3A_245 : i32
    %sign3A_247 = arith.extui %sign3A_246 : i1 to i32
    %sign3A_248 = arith.constant 0 : i32
    %sign3A_249 = arith.cmpi slt, %jit3A_236, %sign3A_248 : i32
    %sign3A_250 = arith.extui %sign3A_249 : i1 to i32
    %sign3A_251 = arith.subi %sign3A_247, %sign3A_250 : i32
    %ne3A_252 = arith.cmpi ne, %sign3A_244, %sign3A_251 : i32
    %rem3A_253 = arith.remsi %squeeze3A_231, %jit3A_236 : i32
    %ne3A_254 = arith.constant 0 : i32
    %ne3A_255 = arith.cmpi ne, %rem3A_253, %ne3A_254 : i32
    %and3A_256 = arith.andi %ne3A_252, %ne3A_255 : i1
    %sub3A_257 = arith.constant 1 : i32
    %sub3A_258 = arith.subi %div3A_237, %sub3A_257 : i32
    %select_n3A_259 = arith.select %and3A_256, %sub3A_258, %div3A_237 : i32
    %mul3A_260 = arith.constant 128 : i32
    %mul3A_261 = arith.muli %select_n3A_259, %mul3A_260 : i32
    %multiple_of3A_262 = tpu.assume_multiple %mul3A_261, 128 : i32
    %sub3A_263 = arith.subi %squeeze3A_235, %multiple_of3A_262 : i32
    %jit3A_264 = arith.constant 128 : i32
    %div3A_265 = arith.divsi %sub3A_263, %jit3A_264 : i32
    %sign3A_266 = arith.constant 0 : i32
    %sign3A_267 = arith.cmpi sgt, %sub3A_263, %sign3A_266 : i32
    %sign3A_268 = arith.extui %sign3A_267 : i1 to i32
    %sign3A_269 = arith.constant 0 : i32
    %sign3A_270 = arith.cmpi slt, %sub3A_263, %sign3A_269 : i32
    %sign3A_271 = arith.extui %sign3A_270 : i1 to i32
    %sign3A_272 = arith.subi %sign3A_268, %sign3A_271 : i32
    %sign3A_273 = arith.constant 0 : i32
    %sign3A_274 = arith.cmpi sgt, %jit3A_264, %sign3A_273 : i32
    %sign3A_275 = arith.extui %sign3A_274 : i1 to i32
    %sign3A_276 = arith.constant 0 : i32
    %sign3A_277 = arith.cmpi slt, %jit3A_264, %sign3A_276 : i32
    %sign3A_278 = arith.extui %sign3A_277 : i1 to i32
    %sign3A_279 = arith.subi %sign3A_275, %sign3A_278 : i32
    %ne3A_280 = arith.cmpi ne, %sign3A_272, %sign3A_279 : i32
    %rem3A_281 = arith.remsi %sub3A_263, %jit3A_264 : i32
    %ne3A_282 = arith.constant 0 : i32
    %ne3A_283 = arith.cmpi ne, %rem3A_281, %ne3A_282 : i32
    %and3A_284 = arith.andi %ne3A_280, %ne3A_283 : i1
    %sub3A_285 = arith.constant 1 : i32
    %sub3A_286 = arith.subi %div3A_265, %sub3A_285 : i32
    %select_n3A_287 = arith.select %and3A_284, %sub3A_286, %div3A_265 : i32
    %add3A_288 = arith.constant 1 : i32
    %add3A_289 = arith.addi %select_n3A_287, %add3A_288 : i32
    %add3A_290 = arith.constant 0 : i32
    %add3A_291 = arith.addi %multiple_of3A_262, %add3A_290 : i32
    %min3A_292 = arith.constant 99968 : i32
    %min3A_293 = arith.minsi %add3A_291, %min3A_292 : i32
    %multiple_of3A_294 = tpu.assume_multiple %min3A_293, 128 : i32
    %rem3A_295 = arith.constant 0 : i32
    %rem3A_296 = arith.constant 6 : i32
    %rem3A_297 = arith.remsi %rem3A_295, %rem3A_296 : i32
    %dma_start3A_298 = arith.constant 0 : i32
    %dma_start3A_299 = arith.constant 0 : i32
    %dma_start3A_300 = tpu.memref_slice %arg14[%rem3A_297, %dma_start3A_298, %dma_start3A_299] : memref<6x64x128xf32, #tpu.memory_space<vmem>> -> memref<1x64x128xf32, #tpu.memory_space<vmem>>
    %dma_start3A_301 = tpu.memref_squeeze %dma_start3A_300 : memref<1x64x128xf32, #tpu.memory_space<vmem>> -> memref<64x128xf32, #tpu.memory_space<vmem>>
    %dma_start3A_302 = arith.constant 0 : i32
    %dma_start3A_303 = tpu.memref_slice %arg7[%dma_start3A_302, %multiple_of3A_294] : memref<64x100000xf32, #tpu.memory_space<hbm>> -> memref<64x128xf32, #tpu.memory_space<hbm>>
    %dma_start3A_304 = arith.constant 0 : i32
    %dma_start3A_305 = arith.constant 0 : i32
    %dma_start3A_306 = tpu.memref_slice %arg14[%rem3A_297, %dma_start3A_304, %dma_start3A_305] : memref<6x64x128xf32, #tpu.memory_space<vmem>> -> memref<1x64x128xf32, #tpu.memory_space<vmem>>
    %dma_start3A_307 = tpu.memref_squeeze %dma_start3A_306 : memref<1x64x128xf32, #tpu.memory_space<vmem>> -> memref<64x128xf32, #tpu.memory_space<vmem>>
    %dma_start3A_308 = arith.constant 0 : i32
    %dma_start3A_309 = tpu.memref_slice %arg7[%dma_start3A_308, %multiple_of3A_294] : memref<64x100000xf32, #tpu.memory_space<hbm>> -> memref<64x128xf32, #tpu.memory_space<hbm>>
    tpu.enqueue_dma source(%dma_start3A_309 : memref<64x128xf32, #tpu.memory_space<hbm>>) target(%dma_start3A_307 : memref<64x128xf32, #tpu.memory_space<vmem>>) target_semaphore(%arg16 : memref<!tpu.dma_semaphore, #tpu.memory_space<semaphore_mem>>)
    %gt3A_310 = arith.constant 1 : i32
    %gt3A_311 = arith.cmpi sgt, %add3A_289, %gt3A_310 : i32
    %convert_element_type3A_312 = arith.extui %gt3A_311 : i1 to i32
    %cond3A_313 = arith.constant 0 : i32
    %cond3A_314 = arith.cmpi ne, %convert_element_type3A_312, %cond3A_313 : i32
    scf.if %cond3A_314 {
      %add3A_457 = arith.constant 128 : i32
      %add3A_458 = arith.addi %multiple_of3A_262, %add3A_457 : i32
      %min3A_459 = arith.constant 99968 : i32
      %min3A_460 = arith.minsi %add3A_458, %min3A_459 : i32
      %multiple_of3A_461 = tpu.assume_multiple %min3A_460, 128 : i32
      %rem3A_462 = arith.constant 1 : i32
      %rem3A_463 = arith.constant 6 : i32
      %rem3A_464 = arith.remsi %rem3A_462, %rem3A_463 : i32
      %dma_start3A_465 = arith.constant 0 : i32
      %dma_start3A_466 = arith.constant 0 : i32
      %dma_start3A_467 = tpu.memref_slice %arg14[%rem3A_464, %dma_start3A_465, %dma_start3A_466] : memref<6x64x128xf32, #tpu.memory_space<vmem>> -> memref<1x64x128xf32, #tpu.memory_space<vmem>>
      %dma_start3A_468 = tpu.memref_squeeze %dma_start3A_467 : memref<1x64x128xf32, #tpu.memory_space<vmem>> -> memref<64x128xf32, #tpu.memory_space<vmem>>
      %dma_start3A_469 = arith.constant 0 : i32
      %dma_start3A_470 = tpu.memref_slice %arg7[%dma_start3A_469, %multiple_of3A_461] : memref<64x100000xf32, #tpu.memory_space<hbm>> -> memref<64x128xf32, #tpu.memory_space<hbm>>
      %dma_start3A_471 = arith.constant 0 : i32
      %dma_start3A_472 = arith.constant 0 : i32
      %dma_start3A_473 = tpu.memref_slice %arg14[%rem3A_464, %dma_start3A_471, %dma_start3A_472] : memref<6x64x128xf32, #tpu.memory_space<vmem>> -> memref<1x64x128xf32, #tpu.memory_space<vmem>>
      %dma_start3A_474 = tpu.memref_squeeze %dma_start3A_473 : memref<1x64x128xf32, #tpu.memory_space<vmem>> -> memref<64x128xf32, #tpu.memory_space<vmem>>
      %dma_start3A_475 = arith.constant 0 : i32
      %dma_start3A_476 = tpu.memref_slice %arg7[%dma_start3A_475, %multiple_of3A_461] : memref<64x100000xf32, #tpu.memory_space<hbm>> -> memref<64x128xf32, #tpu.memory_space<hbm>>
      tpu.enqueue_dma source(%dma_start3A_476 : memref<64x128xf32, #tpu.memory_space<hbm>>) target(%dma_start3A_474 : memref<64x128xf32, #tpu.memory_space<vmem>>) target_semaphore(%arg16 : memref<!tpu.dma_semaphore, #tpu.memory_space<semaphore_mem>>)
    } else {
    }
    %gt3A_315 = arith.constant 2 : i32
    %gt3A_316 = arith.cmpi sgt, %add3A_289, %gt3A_315 : i32
    %convert_element_type3A_317 = arith.extui %gt3A_316 : i1 to i32
    %cond3A_318 = arith.constant 0 : i32
    %cond3A_319 = arith.cmpi ne, %convert_element_type3A_317, %cond3A_318 : i32
    scf.if %cond3A_319 {
      %add3A_457 = arith.constant 256 : i32
      %add3A_458 = arith.addi %multiple_of3A_262, %add3A_457 : i32
      %min3A_459 = arith.constant 99968 : i32
      %min3A_460 = arith.minsi %add3A_458, %min3A_459 : i32
      %multiple_of3A_461 = tpu.assume_multiple %min3A_460, 128 : i32
      %rem3A_462 = arith.constant 2 : i32
      %rem3A_463 = arith.constant 6 : i32
      %rem3A_464 = arith.remsi %rem3A_462, %rem3A_463 : i32
      %dma_start3A_465 = arith.constant 0 : i32
      %dma_start3A_466 = arith.constant 0 : i32
      %dma_start3A_467 = tpu.memref_slice %arg14[%rem3A_464, %dma_start3A_465, %dma_start3A_466] : memref<6x64x128xf32, #tpu.memory_space<vmem>> -> memref<1x64x128xf32, #tpu.memory_space<vmem>>
      %dma_start3A_468 = tpu.memref_squeeze %dma_start3A_467 : memref<1x64x128xf32, #tpu.memory_space<vmem>> -> memref<64x128xf32, #tpu.memory_space<vmem>>
      %dma_start3A_469 = arith.constant 0 : i32
      %dma_start3A_470 = tpu.memref_slice %arg7[%dma_start3A_469, %multiple_of3A_461] : memref<64x100000xf32, #tpu.memory_space<hbm>> -> memref<64x128xf32, #tpu.memory_space<hbm>>
      %dma_start3A_471 = arith.constant 0 : i32
      %dma_start3A_472 = arith.constant 0 : i32
      %dma_start3A_473 = tpu.memref_slice %arg14[%rem3A_464, %dma_start3A_471, %dma_start3A_472] : memref<6x64x128xf32, #tpu.memory_space<vmem>> -> memref<1x64x128xf32, #tpu.memory_space<vmem>>
      %dma_start3A_474 = tpu.memref_squeeze %dma_start3A_473 : memref<1x64x128xf32, #tpu.memory_space<vmem>> -> memref<64x128xf32, #tpu.memory_space<vmem>>
      %dma_start3A_475 = arith.constant 0 : i32
      %dma_start3A_476 = tpu.memref_slice %arg7[%dma_start3A_475, %multiple_of3A_461] : memref<64x100000xf32, #tpu.memory_space<hbm>> -> memref<64x128xf32, #tpu.memory_space<hbm>>
      tpu.enqueue_dma source(%dma_start3A_476 : memref<64x128xf32, #tpu.memory_space<hbm>>) target(%dma_start3A_474 : memref<64x128xf32, #tpu.memory_space<vmem>>) target_semaphore(%arg16 : memref<!tpu.dma_semaphore, #tpu.memory_space<semaphore_mem>>)
    } else {
    }
    %gt3A_320 = arith.constant 3 : i32
    %gt3A_321 = arith.cmpi sgt, %add3A_289, %gt3A_320 : i32
    %convert_element_type3A_322 = arith.extui %gt3A_321 : i1 to i32
    %cond3A_323 = arith.constant 0 : i32
    %cond3A_324 = arith.cmpi ne, %convert_element_type3A_322, %cond3A_323 : i32
    scf.if %cond3A_324 {
      %add3A_457 = arith.constant 384 : i32
      %add3A_458 = arith.addi %multiple_of3A_262, %add3A_457 : i32
      %min3A_459 = arith.constant 99968 : i32
      %min3A_460 = arith.minsi %add3A_458, %min3A_459 : i32
      %multiple_of3A_461 = tpu.assume_multiple %min3A_460, 128 : i32
      %rem3A_462 = arith.constant 3 : i32
      %rem3A_463 = arith.constant 6 : i32
      %rem3A_464 = arith.remsi %rem3A_462, %rem3A_463 : i32
      %dma_start3A_465 = arith.constant 0 : i32
      %dma_start3A_466 = arith.constant 0 : i32
      %dma_start3A_467 = tpu.memref_slice %arg14[%rem3A_464, %dma_start3A_465, %dma_start3A_466] : memref<6x64x128xf32, #tpu.memory_space<vmem>> -> memref<1x64x128xf32, #tpu.memory_space<vmem>>
      %dma_start3A_468 = tpu.memref_squeeze %dma_start3A_467 : memref<1x64x128xf32, #tpu.memory_space<vmem>> -> memref<64x128xf32, #tpu.memory_space<vmem>>
      %dma_start3A_469 = arith.constant 0 : i32
      %dma_start3A_470 = tpu.memref_slice %arg7[%dma_start3A_469, %multiple_of3A_461] : memref<64x100000xf32, #tpu.memory_space<hbm>> -> memref<64x128xf32, #tpu.memory_space<hbm>>
      %dma_start3A_471 = arith.constant 0 : i32
      %dma_start3A_472 = arith.constant 0 : i32
      %dma_start3A_473 = tpu.memref_slice %arg14[%rem3A_464, %dma_start3A_471, %dma_start3A_472] : memref<6x64x128xf32, #tpu.memory_space<vmem>> -> memref<1x64x128xf32, #tpu.memory_space<vmem>>
      %dma_start3A_474 = tpu.memref_squeeze %dma_start3A_473 : memref<1x64x128xf32, #tpu.memory_space<vmem>> -> memref<64x128xf32, #tpu.memory_space<vmem>>
      %dma_start3A_475 = arith.constant 0 : i32
      %dma_start3A_476 = tpu.memref_slice %arg7[%dma_start3A_475, %multiple_of3A_461] : memref<64x100000xf32, #tpu.memory_space<hbm>> -> memref<64x128xf32, #tpu.memory_space<hbm>>
      tpu.enqueue_dma source(%dma_start3A_476 : memref<64x128xf32, #tpu.memory_space<hbm>>) target(%dma_start3A_474 : memref<64x128xf32, #tpu.memory_space<vmem>>) target_semaphore(%arg16 : memref<!tpu.dma_semaphore, #tpu.memory_space<semaphore_mem>>)
    } else {
    }
    %gt3A_325 = arith.constant 4 : i32
    %gt3A_326 = arith.cmpi sgt, %add3A_289, %gt3A_325 : i32
    %convert_element_type3A_327 = arith.extui %gt3A_326 : i1 to i32
    %cond3A_328 = arith.constant 0 : i32
    %cond3A_329 = arith.cmpi ne, %convert_element_type3A_327, %cond3A_328 : i32
    scf.if %cond3A_329 {
      %add3A_457 = arith.constant 512 : i32
      %add3A_458 = arith.addi %multiple_of3A_262, %add3A_457 : i32
      %min3A_459 = arith.constant 99968 : i32
      %min3A_460 = arith.minsi %add3A_458, %min3A_459 : i32
      %multiple_of3A_461 = tpu.assume_multiple %min3A_460, 128 : i32
      %rem3A_462 = arith.constant 4 : i32
      %rem3A_463 = arith.constant 6 : i32
      %rem3A_464 = arith.remsi %rem3A_462, %rem3A_463 : i32
      %dma_start3A_465 = arith.constant 0 : i32
      %dma_start3A_466 = arith.constant 0 : i32
      %dma_start3A_467 = tpu.memref_slice %arg14[%rem3A_464, %dma_start3A_465, %dma_start3A_466] : memref<6x64x128xf32, #tpu.memory_space<vmem>> -> memref<1x64x128xf32, #tpu.memory_space<vmem>>
      %dma_start3A_468 = tpu.memref_squeeze %dma_start3A_467 : memref<1x64x128xf32, #tpu.memory_space<vmem>> -> memref<64x128xf32, #tpu.memory_space<vmem>>
      %dma_start3A_469 = arith.constant 0 : i32
      %dma_start3A_470 = tpu.memref_slice %arg7[%dma_start3A_469, %multiple_of3A_461] : memref<64x100000xf32, #tpu.memory_space<hbm>> -> memref<64x128xf32, #tpu.memory_space<hbm>>
      %dma_start3A_471 = arith.constant 0 : i32
      %dma_start3A_472 = arith.constant 0 : i32
      %dma_start3A_473 = tpu.memref_slice %arg14[%rem3A_464, %dma_start3A_471, %dma_start3A_472] : memref<6x64x128xf32, #tpu.memory_space<vmem>> -> memref<1x64x128xf32, #tpu.memory_space<vmem>>
      %dma_start3A_474 = tpu.memref_squeeze %dma_start3A_473 : memref<1x64x128xf32, #tpu.memory_space<vmem>> -> memref<64x128xf32, #tpu.memory_space<vmem>>
      %dma_start3A_475 = arith.constant 0 : i32
      %dma_start3A_476 = tpu.memref_slice %arg7[%dma_start3A_475, %multiple_of3A_461] : memref<64x100000xf32, #tpu.memory_space<hbm>> -> memref<64x128xf32, #tpu.memory_space<hbm>>
      tpu.enqueue_dma source(%dma_start3A_476 : memref<64x128xf32, #tpu.memory_space<hbm>>) target(%dma_start3A_474 : memref<64x128xf32, #tpu.memory_space<vmem>>) target_semaphore(%arg16 : memref<!tpu.dma_semaphore, #tpu.memory_space<semaphore_mem>>)
    } else {
    }
    %gt3A_330 = arith.constant 5 : i32
    %gt3A_331 = arith.cmpi sgt, %add3A_289, %gt3A_330 : i32
    %convert_element_type3A_332 = arith.extui %gt3A_331 : i1 to i32
    %cond3A_333 = arith.constant 0 : i32
    %cond3A_334 = arith.cmpi ne, %convert_element_type3A_332, %cond3A_333 : i32
    scf.if %cond3A_334 {
      %add3A_457 = arith.constant 640 : i32
      %add3A_458 = arith.addi %multiple_of3A_262, %add3A_457 : i32
      %min3A_459 = arith.constant 99968 : i32
      %min3A_460 = arith.minsi %add3A_458, %min3A_459 : i32
      %multiple_of3A_461 = tpu.assume_multiple %min3A_460, 128 : i32
      %rem3A_462 = arith.constant 5 : i32
      %rem3A_463 = arith.constant 6 : i32
      %rem3A_464 = arith.remsi %rem3A_462, %rem3A_463 : i32
      %dma_start3A_465 = arith.constant 0 : i32
      %dma_start3A_466 = arith.constant 0 : i32
      %dma_start3A_467 = tpu.memref_slice %arg14[%rem3A_464, %dma_start3A_465, %dma_start3A_466] : memref<6x64x128xf32, #tpu.memory_space<vmem>> -> memref<1x64x128xf32, #tpu.memory_space<vmem>>
      %dma_start3A_468 = tpu.memref_squeeze %dma_start3A_467 : memref<1x64x128xf32, #tpu.memory_space<vmem>> -> memref<64x128xf32, #tpu.memory_space<vmem>>
      %dma_start3A_469 = arith.constant 0 : i32
      %dma_start3A_470 = tpu.memref_slice %arg7[%dma_start3A_469, %multiple_of3A_461] : memref<64x100000xf32, #tpu.memory_space<hbm>> -> memref<64x128xf32, #tpu.memory_space<hbm>>
      %dma_start3A_471 = arith.constant 0 : i32
      %dma_start3A_472 = arith.constant 0 : i32
      %dma_start3A_473 = tpu.memref_slice %arg14[%rem3A_464, %dma_start3A_471, %dma_start3A_472] : memref<6x64x128xf32, #tpu.memory_space<vmem>> -> memref<1x64x128xf32, #tpu.memory_space<vmem>>
      %dma_start3A_474 = tpu.memref_squeeze %dma_start3A_473 : memref<1x64x128xf32, #tpu.memory_space<vmem>> -> memref<64x128xf32, #tpu.memory_space<vmem>>
      %dma_start3A_475 = arith.constant 0 : i32
      %dma_start3A_476 = tpu.memref_slice %arg7[%dma_start3A_475, %multiple_of3A_461] : memref<64x100000xf32, #tpu.memory_space<hbm>> -> memref<64x128xf32, #tpu.memory_space<hbm>>
      tpu.enqueue_dma source(%dma_start3A_476 : memref<64x128xf32, #tpu.memory_space<hbm>>) target(%dma_start3A_474 : memref<64x128xf32, #tpu.memory_space<vmem>>) target_semaphore(%arg16 : memref<!tpu.dma_semaphore, #tpu.memory_space<semaphore_mem>>)
    } else {
    }
    %dma_wait3A_335 = arith.constant 0 : i32
    %dma_wait3A_336 = arith.constant 0 : i32
    %dma_wait3A_337 = arith.constant 0 : i32
    %dma_wait3A_338 = tpu.memref_slice %arg14[%dma_wait3A_335, %dma_wait3A_336, %dma_wait3A_337] : memref<6x64x128xf32, #tpu.memory_space<vmem>> -> memref<1x64x128xf32, #tpu.memory_space<vmem>>
    %dma_wait3A_339 = tpu.memref_squeeze %dma_wait3A_338 : memref<1x64x128xf32, #tpu.memory_space<vmem>> -> memref<64x128xf32, #tpu.memory_space<vmem>>
    %dma_wait3A_340 = arith.constant 0 : i32
    %dma_wait3A_341 = arith.constant 0 : i32
    %dma_wait3A_342 = tpu.memref_slice %arg7[%dma_wait3A_340, %dma_wait3A_341] : memref<64x100000xf32, #tpu.memory_space<hbm>> -> memref<64x128xf32, #tpu.memory_space<hbm>>
    %dma_wait3A_343 = arith.constant 0 : i32
    %dma_wait3A_344 = arith.constant 0 : i32
    %dma_wait3A_345 = tpu.memref_slice %arg14[%dma_wait3A_335, %dma_wait3A_343, %dma_wait3A_344] : memref<6x64x128xf32, #tpu.memory_space<vmem>> -> memref<1x64x128xf32, #tpu.memory_space<vmem>>
    %dma_wait3A_346 = tpu.memref_squeeze %dma_wait3A_345 : memref<1x64x128xf32, #tpu.memory_space<vmem>> -> memref<64x128xf32, #tpu.memory_space<vmem>>
    %dma_wait3A_347 = arith.constant 0 : i32
    %dma_wait3A_348 = arith.constant 0 : i32
    %dma_wait3A_349 = tpu.memref_slice %arg7[%dma_wait3A_347, %dma_wait3A_348] : memref<64x100000xf32, #tpu.memory_space<hbm>> -> memref<64x128xf32, #tpu.memory_space<hbm>>
    tpu.wait_dma2 semaphore(%arg16 : memref<!tpu.dma_semaphore, #tpu.memory_space<semaphore_mem>>) src(%dma_wait3A_349 : memref<64x128xf32, #tpu.memory_space<hbm>>) dst(%dma_wait3A_346 : memref<64x128xf32, #tpu.memory_space<vmem>>)
    %sub3A_350 = arith.constant 1 : i32
    %sub3A_351 = arith.subi %add3A_289, %sub3A_350 : i32
    %add3A_352 = arith.constant 512 : i32
    %add3A_353 = arith.addi %sub3A_351, %add3A_352 : i32
    %sub3A_354 = arith.constant 0 : i32
    %sub3A_355 = arith.subi %add3A_353, %sub3A_354 : i32
    %sub3A_356 = arith.constant 1 : i32
    %sub3A_357 = arith.constant 1 : i32
    %sub3A_358 = arith.subi %sub3A_356, %sub3A_357 : i32
    %add3A_359 = arith.addi %sub3A_355, %sub3A_358 : i32
    %div3A_360 = arith.constant 1 : i32
    %div3A_361 = arith.divsi %add3A_359, %div3A_360 : i32
    %while3A_362 = arith.constant 1 : i32
    %while3A_363 = arith.constant 0 : i32
    %while3A_364 = arith.constant 0 : i32
    %while3A_365 = arith.constant 0 : i32
    %while3A_366 = arith.constant 0 : i32
    %while3A_367 = arith.subi %div3A_361, %while3A_364 : i32
    %while3A_368 = arith.addi %while3A_364, %while3A_367 : i32
    %while3A_369 = arith.constant 1 : i32
    %while3A_370 = arith.divsi %while3A_367, %while3A_369 : i32
    %while3A_371 = arith.muli %while3A_370, %while3A_369 : i32
    %while3A_372 = arith.addi %while3A_364, %while3A_371 : i32
    %while3A_373 = arith.constant 1 : i32
    %while3A_374:2 = scf.for %while3A_457 = %while3A_364 to %while3A_372 step %while3A_373 iter_args(%while3A_458 = %while3A_365, %while3A_459 = %while3A_366) -> (i32, i32)  : i32 {
      %mul3A_460 = arith.muli %while3A_457, %while3A_362 : i32
      %add3A_461 = arith.addi %while3A_363, %mul3A_460 : i32
      %min3A_462 = arith.constant 511 : i32
      %min3A_463 = arith.minsi %while3A_458, %min3A_462 : i32
      %get3A_464 = arith.index_cast %min3A_463 : i32 to index
      %get3A_465 = tpu.vector_load %arg11[%get3A_464] {strides = array<i32>} : memref<528xi32, #tpu.memory_space<vmem>>, vector<16xi32>,
      %slice3A_466 = vector.extract_strided_slice %get3A_465 {offsets = [0], sizes = [1], strides = [1]} : vector<16xi32> to vector<1xi32>
      %squeeze3A_467 = vector.extract %slice3A_466[0] : i32 from vector<1xi32>
      %mul3A_468 = arith.constant 128 : i32
      %mul3A_469 = arith.muli %while3A_459, %mul3A_468 : i32
      %add3A_470 = arith.addi %multiple_of3A_262, %mul3A_469 : i32
      %min3A_471 = arith.constant 99968 : i32
      %min3A_472 = arith.minsi %add3A_470, %min3A_471 : i32
      %multiple_of3A_473 = tpu.assume_multiple %min3A_472, 128 : i32
      %lt3A = arith.constant 512 : i32
      %lt3A_474 = arith.cmpi slt, %while3A_458, %lt3A : i32
      %add3A_475 = arith.constant 128 : i32
      %add3A_476 = arith.addi %multiple_of3A_473, %add3A_475 : i32
      %lt3A_477 = arith.cmpi slt, %squeeze3A_467, %add3A_476 : i32
      %and3A_478 = arith.andi %lt3A_474, %lt3A_477 : i1
      %sub3A_479 = arith.subi %squeeze3A_467, %multiple_of3A_473 : i32
      %jit3A_480 = arith.constant 0 : i32
      %jit3A_481 = arith.constant 127 : i32
      %max3A = arith.maxsi %jit3A_480, %sub3A_479 : i32
      %min3A_482 = arith.minsi %jit3A_481, %max3A : i32
      %jit3A_483 = arith.constant 512 : i32
      %select_n3A_484 = arith.select %and3A_478, %while3A_458, %jit3A_483 : i32
      %rem3A_485 = arith.constant 6 : i32
      %rem3A_486 = arith.remsi %while3A_459, %rem3A_485 : i32
      %broadcast_in_dim3A = vector.broadcast %min3A_482 : i32 to vector<16xi32>
      %gather3A = arith.constant 0 : i32
      %gather3A_487 = arith.constant 0 : i32
      %gather3A_488 = tpu.memref_slice %arg14[%rem3A_486, %gather3A, %gather3A_487] : memref<6x64x128xf32, #tpu.memory_space<vmem>> -> memref<1x64x128xf32, #tpu.memory_space<vmem>>
      %gather3A_489 = tpu.memref_squeeze %gather3A_488 : memref<1x64x128xf32, #tpu.memory_space<vmem>> -> memref<64x128xf32, #tpu.memory_space<vmem>>
      %gather3A_490 = tpu.vector_load_idx %gather3A_489[%add3A_5, %broadcast_in_dim3A] : memref<64x128xf32, #tpu.memory_space<vmem>>[vector<16xi32>, vector<16xi32>], vector<16xf32>,
      %broadcast_in_dim3A_491 = vector.broadcast %select_n3A_484 : i32 to vector<16xi32>
      tpu.vector_store_idx %arg15[%broadcast_in_dim3A_491, %add3A_5], %gather3A_490 : memref<520x128xf32, #tpu.memory_space<vmem>>[vector<16xi32>, vector<16xi32>], vector<16xf32>,
      %broadcast_in_dim3A_492 = vector.broadcast %min3A_482 : i32 to vector<16xi32>
      %gather3A_493 = arith.constant 0 : i32
      %gather3A_494 = arith.constant 0 : i32
      %gather3A_495 = tpu.memref_slice %arg14[%rem3A_486, %gather3A_493, %gather3A_494] : memref<6x64x128xf32, #tpu.memory_space<vmem>> -> memref<1x64x128xf32, #tpu.memory_space<vmem>>
      %gather3A_496 = tpu.memref_squeeze %gather3A_495 : memref<1x64x128xf32, #tpu.memory_space<vmem>> -> memref<64x128xf32, #tpu.memory_space<vmem>>
      %gather3A_497 = tpu.vector_load_idx %gather3A_496[%add3A_9, %broadcast_in_dim3A_492] : memref<64x128xf32, #tpu.memory_space<vmem>>[vector<16xi32>, vector<16xi32>], vector<16xf32>,
      %broadcast_in_dim3A_498 = vector.broadcast %select_n3A_484 : i32 to vector<16xi32>
      tpu.vector_store_idx %arg15[%broadcast_in_dim3A_498, %add3A_9], %gather3A_497 : memref<520x128xf32, #tpu.memory_space<vmem>>[vector<16xi32>, vector<16xi32>], vector<16xf32>,
      %broadcast_in_dim3A_499 = vector.broadcast %min3A_482 : i32 to vector<16xi32>
      %gather3A_500 = arith.constant 0 : i32
      %gather3A_501 = arith.constant 0 : i32
      %gather3A_502 = tpu.memref_slice %arg14[%rem3A_486, %gather3A_500, %gather3A_501] : memref<6x64x128xf32, #tpu.memory_space<vmem>> -> memref<1x64x128xf32, #tpu.memory_space<vmem>>
      %gather3A_503 = tpu.memref_squeeze %gather3A_502 : memref<1x64x128xf32, #tpu.memory_space<vmem>> -> memref<64x128xf32, #tpu.memory_space<vmem>>
      %gather3A_504 = tpu.vector_load_idx %gather3A_503[%add3A_13, %broadcast_in_dim3A_499] : memref<64x128xf32, #tpu.memory_space<vmem>>[vector<16xi32>, vector<16xi32>], vector<16xf32>,
      %broadcast_in_dim3A_505 = vector.broadcast %select_n3A_484 : i32 to vector<16xi32>
      tpu.vector_store_idx %arg15[%broadcast_in_dim3A_505, %add3A_13], %gather3A_504 : memref<520x128xf32, #tpu.memory_space<vmem>>[vector<16xi32>, vector<16xi32>], vector<16xf32>,
      %broadcast_in_dim3A_506 = vector.broadcast %min3A_482 : i32 to vector<16xi32>
      %gather3A_507 = arith.constant 0 : i32
      %gather3A_508 = arith.constant 0 : i32
      %gather3A_509 = tpu.memref_slice %arg14[%rem3A_486, %gather3A_507, %gather3A_508] : memref<6x64x128xf32, #tpu.memory_space<vmem>> -> memref<1x64x128xf32, #tpu.memory_space<vmem>>
      %gather3A_510 = tpu.memref_squeeze %gather3A_509 : memref<1x64x128xf32, #tpu.memory_space<vmem>> -> memref<64x128xf32, #tpu.memory_space<vmem>>
      %gather3A_511 = tpu.vector_load_idx %gather3A_510[%add3A_17, %broadcast_in_dim3A_506] : memref<64x128xf32, #tpu.memory_space<vmem>>[vector<16xi32>, vector<16xi32>], vector<16xf32>,
      %broadcast_in_dim3A_512 = vector.broadcast %select_n3A_484 : i32 to vector<16xi32>
      tpu.vector_store_idx %arg15[%broadcast_in_dim3A_512, %add3A_17], %gather3A_511 : memref<520x128xf32, #tpu.memory_space<vmem>>[vector<16xi32>, vector<16xi32>], vector<16xf32>,
      %not3A = arith.constant true
      %not3A_513 = arith.xori %and3A_478, %not3A : i1
      %add3A_514 = arith.constant 1 : i32
      %add3A_515 = arith.addi %while3A_459, %add3A_514 : i32
      %lt3A_516 = arith.cmpi slt, %add3A_515, %add3A_289 : i32
      %and3A_517 = arith.andi %not3A_513, %lt3A_516 : i1
      %convert_element_type3A_518 = arith.extui %and3A_517 : i1 to i32
      %cond3A_519 = arith.constant 0 : i32
      %cond3A_520 = arith.cmpi ne, %convert_element_type3A_518, %cond3A_519 : i32
      scf.if %cond3A_520 {
        %dma_wait3A_532 = arith.constant 0 : i32
        %dma_wait3A_533 = arith.constant 0 : i32
        %dma_wait3A_534 = arith.constant 0 : i32
        %dma_wait3A_535 = tpu.memref_slice %arg14[%dma_wait3A_532, %dma_wait3A_533, %dma_wait3A_534] : memref<6x64x128xf32, #tpu.memory_space<vmem>> -> memref<1x64x128xf32, #tpu.memory_space<vmem>>
        %dma_wait3A_536 = tpu.memref_squeeze %dma_wait3A_535 : memref<1x64x128xf32, #tpu.memory_space<vmem>> -> memref<64x128xf32, #tpu.memory_space<vmem>>
        %dma_wait3A_537 = arith.constant 0 : i32
        %dma_wait3A_538 = arith.constant 0 : i32
        %dma_wait3A_539 = tpu.memref_slice %arg7[%dma_wait3A_537, %dma_wait3A_538] : memref<64x100000xf32, #tpu.memory_space<hbm>> -> memref<64x128xf32, #tpu.memory_space<hbm>>
        %dma_wait3A_540 = arith.constant 0 : i32
        %dma_wait3A_541 = arith.constant 0 : i32
        %dma_wait3A_542 = tpu.memref_slice %arg14[%dma_wait3A_532, %dma_wait3A_540, %dma_wait3A_541] : memref<6x64x128xf32, #tpu.memory_space<vmem>> -> memref<1x64x128xf32, #tpu.memory_space<vmem>>
        %dma_wait3A_543 = tpu.memref_squeeze %dma_wait3A_542 : memref<1x64x128xf32, #tpu.memory_space<vmem>> -> memref<64x128xf32, #tpu.memory_space<vmem>>
        %dma_wait3A_544 = arith.constant 0 : i32
        %dma_wait3A_545 = arith.constant 0 : i32
        %dma_wait3A_546 = tpu.memref_slice %arg7[%dma_wait3A_544, %dma_wait3A_545] : memref<64x100000xf32, #tpu.memory_space<hbm>> -> memref<64x128xf32, #tpu.memory_space<hbm>>
        tpu.wait_dma2 semaphore(%arg16 : memref<!tpu.dma_semaphore, #tpu.memory_space<semaphore_mem>>) src(%dma_wait3A_546 : memref<64x128xf32, #tpu.memory_space<hbm>>) dst(%dma_wait3A_543 : memref<64x128xf32, #tpu.memory_space<vmem>>)
      } else {
      }
      %add3A_521 = arith.constant 6 : i32
      %add3A_522 = arith.addi %while3A_459, %add3A_521 : i32
      %lt3A_523 = arith.cmpi slt, %add3A_522, %add3A_289 : i32
      %and3A_524 = arith.andi %and3A_517, %lt3A_523 : i1
      %convert_element_type3A_525 = arith.extui %and3A_524 : i1 to i32
      %cond3A_526 = arith.constant 0 : i32
      %cond3A_527 = arith.cmpi ne, %convert_element_type3A_525, %cond3A_526 : i32
      scf.if %cond3A_527 {
        %add3A_532 = arith.constant 6 : i32
        %add3A_533 = arith.addi %while3A_459, %add3A_532 : i32
        %mul3A_534 = arith.constant 128 : i32
        %mul3A_535 = arith.muli %add3A_533, %mul3A_534 : i32
        %add3A_536 = arith.addi %multiple_of3A_262, %mul3A_535 : i32
        %min3A_537 = arith.constant 99968 : i32
        %min3A_538 = arith.minsi %add3A_536, %min3A_537 : i32
        %multiple_of3A_539 = tpu.assume_multiple %min3A_538, 128 : i32
        %rem3A_540 = arith.constant 6 : i32
        %rem3A_541 = arith.remsi %add3A_533, %rem3A_540 : i32
        %dma_start3A_542 = arith.constant 0 : i32
        %dma_start3A_543 = arith.constant 0 : i32
        %dma_start3A_544 = tpu.memref_slice %arg14[%rem3A_541, %dma_start3A_542, %dma_start3A_543] : memref<6x64x128xf32, #tpu.memory_space<vmem>> -> memref<1x64x128xf32, #tpu.memory_space<vmem>>
        %dma_start3A_545 = tpu.memref_squeeze %dma_start3A_544 : memref<1x64x128xf32, #tpu.memory_space<vmem>> -> memref<64x128xf32, #tpu.memory_space<vmem>>
        %dma_start3A_546 = arith.constant 0 : i32
        %dma_start3A_547 = tpu.memref_slice %arg7[%dma_start3A_546, %multiple_of3A_539] : memref<64x100000xf32, #tpu.memory_space<hbm>> -> memref<64x128xf32, #tpu.memory_space<hbm>>
        %dma_start3A_548 = arith.constant 0 : i32
        %dma_start3A_549 = arith.constant 0 : i32
        %dma_start3A_550 = tpu.memref_slice %arg14[%rem3A_541, %dma_start3A_548, %dma_start3A_549] : memref<6x64x128xf32, #tpu.memory_space<vmem>> -> memref<1x64x128xf32, #tpu.memory_space<vmem>>
        %dma_start3A_551 = tpu.memref_squeeze %dma_start3A_550 : memref<1x64x128xf32, #tpu.memory_space<vmem>> -> memref<64x128xf32, #tpu.memory_space<vmem>>
        %dma_start3A_552 = arith.constant 0 : i32
        %dma_start3A_553 = tpu.memref_slice %arg7[%dma_start3A_552, %multiple_of3A_539] : memref<64x100000xf32, #tpu.memory_space<hbm>> -> memref<64x128xf32, #tpu.memory_space<hbm>>
        tpu.enqueue_dma source(%dma_start3A_553 : memref<64x128xf32, #tpu.memory_space<hbm>>) target(%dma_start3A_551 : memref<64x128xf32, #tpu.memory_space<vmem>>) target_semaphore(%arg16 : memref<!tpu.dma_semaphore, #tpu.memory_space<semaphore_mem>>)
      } else {
      }
      %convert_element_type3A_528 = arith.extui %and3A_478 : i1 to i32
      %add3A_529 = arith.addi %while3A_458, %convert_element_type3A_528 : i32
      %convert_element_type3A_530 = arith.extui %and3A_517 : i1 to i32
      %add3A_531 = arith.addi %while3A_459, %convert_element_type3A_530 : i32
      scf.yield %add3A_529, %add3A_531 : i32, i32
    }
    %while3A_375 = arith.constant 1 : i32
    %while3A_376:2 = scf.for %while3A_457 = %while3A_372 to %while3A_368 step %while3A_375 iter_args(%while3A_458 = %while3A_374#0, %while3A_459 = %while3A_374#1) -> (i32, i32)  : i32 {
      %mul3A_460 = arith.muli %while3A_457, %while3A_362 : i32
      %add3A_461 = arith.addi %while3A_363, %mul3A_460 : i32
      %min3A_462 = arith.constant 511 : i32
      %min3A_463 = arith.minsi %while3A_458, %min3A_462 : i32
      %get3A_464 = arith.index_cast %min3A_463 : i32 to index
      %get3A_465 = tpu.vector_load %arg11[%get3A_464] {strides = array<i32>} : memref<528xi32, #tpu.memory_space<vmem>>, vector<16xi32>,
      %slice3A_466 = vector.extract_strided_slice %get3A_465 {offsets = [0], sizes = [1], strides = [1]} : vector<16xi32> to vector<1xi32>
      %squeeze3A_467 = vector.extract %slice3A_466[0] : i32 from vector<1xi32>
      %mul3A_468 = arith.constant 128 : i32
      %mul3A_469 = arith.muli %while3A_459, %mul3A_468 : i32
      %add3A_470 = arith.addi %multiple_of3A_262, %mul3A_469 : i32
      %min3A_471 = arith.constant 99968 : i32
      %min3A_472 = arith.minsi %add3A_470, %min3A_471 : i32
      %multiple_of3A_473 = tpu.assume_multiple %min3A_472, 128 : i32
      %lt3A = arith.constant 512 : i32
      %lt3A_474 = arith.cmpi slt, %while3A_458, %lt3A : i32
      %add3A_475 = arith.constant 128 : i32
      %add3A_476 = arith.addi %multiple_of3A_473, %add3A_475 : i32
      %lt3A_477 = arith.cmpi slt, %squeeze3A_467, %add3A_476 : i32
      %and3A_478 = arith.andi %lt3A_474, %lt3A_477 : i1
      %sub3A_479 = arith.subi %squeeze3A_467, %multiple_of3A_473 : i32
      %jit3A_480 = arith.constant 0 : i32
      %jit3A_481 = arith.constant 127 : i32
      %max3A = arith.maxsi %jit3A_480, %sub3A_479 : i32
      %min3A_482 = arith.minsi %jit3A_481, %max3A : i32
      %jit3A_483 = arith.constant 512 : i32
      %select_n3A_484 = arith.select %and3A_478, %while3A_458, %jit3A_483 : i32
      %rem3A_485 = arith.constant 6 : i32
      %rem3A_486 = arith.remsi %while3A_459, %rem3A_485 : i32
      %broadcast_in_dim3A = vector.broadcast %min3A_482 : i32 to vector<16xi32>
      %gather3A = arith.constant 0 : i32
      %gather3A_487 = arith.constant 0 : i32
      %gather3A_488 = tpu.memref_slice %arg14[%rem3A_486, %gather3A, %gather3A_487] : memref<6x64x128xf32, #tpu.memory_space<vmem>> -> memref<1x64x128xf32, #tpu.memory_space<vmem>>
      %gather3A_489 = tpu.memref_squeeze %gather3A_488 : memref<1x64x128xf32, #tpu.memory_space<vmem>> -> memref<64x128xf32, #tpu.memory_space<vmem>>
      %gather3A_490 = tpu.vector_load_idx %gather3A_489[%add3A_5, %broadcast_in_dim3A] : memref<64x128xf32, #tpu.memory_space<vmem>>[vector<16xi32>, vector<16xi32>], vector<16xf32>,
      %broadcast_in_dim3A_491 = vector.broadcast %select_n3A_484 : i32 to vector<16xi32>
      tpu.vector_store_idx %arg15[%broadcast_in_dim3A_491, %add3A_5], %gather3A_490 : memref<520x128xf32, #tpu.memory_space<vmem>>[vector<16xi32>, vector<16xi32>], vector<16xf32>,
      %broadcast_in_dim3A_492 = vector.broadcast %min3A_482 : i32 to vector<16xi32>
      %gather3A_493 = arith.constant 0 : i32
      %gather3A_494 = arith.constant 0 : i32
      %gather3A_495 = tpu.memref_slice %arg14[%rem3A_486, %gather3A_493, %gather3A_494] : memref<6x64x128xf32, #tpu.memory_space<vmem>> -> memref<1x64x128xf32, #tpu.memory_space<vmem>>
      %gather3A_496 = tpu.memref_squeeze %gather3A_495 : memref<1x64x128xf32, #tpu.memory_space<vmem>> -> memref<64x128xf32, #tpu.memory_space<vmem>>
      %gather3A_497 = tpu.vector_load_idx %gather3A_496[%add3A_9, %broadcast_in_dim3A_492] : memref<64x128xf32, #tpu.memory_space<vmem>>[vector<16xi32>, vector<16xi32>], vector<16xf32>,
      %broadcast_in_dim3A_498 = vector.broadcast %select_n3A_484 : i32 to vector<16xi32>
      tpu.vector_store_idx %arg15[%broadcast_in_dim3A_498, %add3A_9], %gather3A_497 : memref<520x128xf32, #tpu.memory_space<vmem>>[vector<16xi32>, vector<16xi32>], vector<16xf32>,
      %broadcast_in_dim3A_499 = vector.broadcast %min3A_482 : i32 to vector<16xi32>
      %gather3A_500 = arith.constant 0 : i32
      %gather3A_501 = arith.constant 0 : i32
      %gather3A_502 = tpu.memref_slice %arg14[%rem3A_486, %gather3A_500, %gather3A_501] : memref<6x64x128xf32, #tpu.memory_space<vmem>> -> memref<1x64x128xf32, #tpu.memory_space<vmem>>
      %gather3A_503 = tpu.memref_squeeze %gather3A_502 : memref<1x64x128xf32, #tpu.memory_space<vmem>> -> memref<64x128xf32, #tpu.memory_space<vmem>>
      %gather3A_504 = tpu.vector_load_idx %gather3A_503[%add3A_13, %broadcast_in_dim3A_499] : memref<64x128xf32, #tpu.memory_space<vmem>>[vector<16xi32>, vector<16xi32>], vector<16xf32>,
      %broadcast_in_dim3A_505 = vector.broadcast %select_n3A_484 : i32 to vector<16xi32>
      tpu.vector_store_idx %arg15[%broadcast_in_dim3A_505, %add3A_13], %gather3A_504 : memref<520x128xf32, #tpu.memory_space<vmem>>[vector<16xi32>, vector<16xi32>], vector<16xf32>,
      %broadcast_in_dim3A_506 = vector.broadcast %min3A_482 : i32 to vector<16xi32>
      %gather3A_507 = arith.constant 0 : i32
      %gather3A_508 = arith.constant 0 : i32
      %gather3A_509 = tpu.memref_slice %arg14[%rem3A_486, %gather3A_507, %gather3A_508] : memref<6x64x128xf32, #tpu.memory_space<vmem>> -> memref<1x64x128xf32, #tpu.memory_space<vmem>>
      %gather3A_510 = tpu.memref_squeeze %gather3A_509 : memref<1x64x128xf32, #tpu.memory_space<vmem>> -> memref<64x128xf32, #tpu.memory_space<vmem>>
      %gather3A_511 = tpu.vector_load_idx %gather3A_510[%add3A_17, %broadcast_in_dim3A_506] : memref<64x128xf32, #tpu.memory_space<vmem>>[vector<16xi32>, vector<16xi32>], vector<16xf32>,
      %broadcast_in_dim3A_512 = vector.broadcast %select_n3A_484 : i32 to vector<16xi32>
      tpu.vector_store_idx %arg15[%broadcast_in_dim3A_512, %add3A_17], %gather3A_511 : memref<520x128xf32, #tpu.memory_space<vmem>>[vector<16xi32>, vector<16xi32>], vector<16xf32>,
      %not3A = arith.constant true
      %not3A_513 = arith.xori %and3A_478, %not3A : i1
      %add3A_514 = arith.constant 1 : i32
      %add3A_515 = arith.addi %while3A_459, %add3A_514 : i32
      %lt3A_516 = arith.cmpi slt, %add3A_515, %add3A_289 : i32
      %and3A_517 = arith.andi %not3A_513, %lt3A_516 : i1
      %convert_element_type3A_518 = arith.extui %and3A_517 : i1 to i32
      %cond3A_519 = arith.constant 0 : i32
      %cond3A_520 = arith.cmpi ne, %convert_element_type3A_518, %cond3A_519 : i32
      scf.if %cond3A_520 {
        %dma_wait3A_532 = arith.constant 0 : i32
        %dma_wait3A_533 = arith.constant 0 : i32
        %dma_wait3A_534 = arith.constant 0 : i32
        %dma_wait3A_535 = tpu.memref_slice %arg14[%dma_wait3A_532, %dma_wait3A_533, %dma_wait3A_534] : memref<6x64x128xf32, #tpu.memory_space<vmem>> -> memref<1x64x128xf32, #tpu.memory_space<vmem>>
        %dma_wait3A_536 = tpu.memref_squeeze %dma_wait3A_535 : memref<1x64x128xf32, #tpu.memory_space<vmem>> -> memref<64x128xf32, #tpu.memory_space<vmem>>
        %dma_wait3A_537 = arith.constant 0 : i32
        %dma_wait3A_538 = arith.constant 0 : i32
        %dma_wait3A_539 = tpu.memref_slice %arg7[%dma_wait3A_537, %dma_wait3A_538] : memref<64x100000xf32, #tpu.memory_space<hbm>> -> memref<64x128xf32, #tpu.memory_space<hbm>>
        %dma_wait3A_540 = arith.constant 0 : i32
        %dma_wait3A_541 = arith.constant 0 : i32
        %dma_wait3A_542 = tpu.memref_slice %arg14[%dma_wait3A_532, %dma_wait3A_540, %dma_wait3A_541] : memref<6x64x128xf32, #tpu.memory_space<vmem>> -> memref<1x64x128xf32, #tpu.memory_space<vmem>>
        %dma_wait3A_543 = tpu.memref_squeeze %dma_wait3A_542 : memref<1x64x128xf32, #tpu.memory_space<vmem>> -> memref<64x128xf32, #tpu.memory_space<vmem>>
        %dma_wait3A_544 = arith.constant 0 : i32
        %dma_wait3A_545 = arith.constant 0 : i32
        %dma_wait3A_546 = tpu.memref_slice %arg7[%dma_wait3A_544, %dma_wait3A_545] : memref<64x100000xf32, #tpu.memory_space<hbm>> -> memref<64x128xf32, #tpu.memory_space<hbm>>
        tpu.wait_dma2 semaphore(%arg16 : memref<!tpu.dma_semaphore, #tpu.memory_space<semaphore_mem>>) src(%dma_wait3A_546 : memref<64x128xf32, #tpu.memory_space<hbm>>) dst(%dma_wait3A_543 : memref<64x128xf32, #tpu.memory_space<vmem>>)
      } else {
      }
      %add3A_521 = arith.constant 6 : i32
      %add3A_522 = arith.addi %while3A_459, %add3A_521 : i32
      %lt3A_523 = arith.cmpi slt, %add3A_522, %add3A_289 : i32
      %and3A_524 = arith.andi %and3A_517, %lt3A_523 : i1
      %convert_element_type3A_525 = arith.extui %and3A_524 : i1 to i32
      %cond3A_526 = arith.constant 0 : i32
      %cond3A_527 = arith.cmpi ne, %convert_element_type3A_525, %cond3A_526 : i32
      scf.if %cond3A_527 {
        %add3A_532 = arith.constant 6 : i32
        %add3A_533 = arith.addi %while3A_459, %add3A_532 : i32
        %mul3A_534 = arith.constant 128 : i32
        %mul3A_535 = arith.muli %add3A_533, %mul3A_534 : i32
        %add3A_536 = arith.addi %multiple_of3A_262, %mul3A_535 : i32
        %min3A_537 = arith.constant 99968 : i32
        %min3A_538 = arith.minsi %add3A_536, %min3A_537 : i32
        %multiple_of3A_539 = tpu.assume_multiple %min3A_538, 128 : i32
        %rem3A_540 = arith.constant 6 : i32
        %rem3A_541 = arith.remsi %add3A_533, %rem3A_540 : i32
        %dma_start3A_542 = arith.constant 0 : i32
        %dma_start3A_543 = arith.constant 0 : i32
        %dma_start3A_544 = tpu.memref_slice %arg14[%rem3A_541, %dma_start3A_542, %dma_start3A_543] : memref<6x64x128xf32, #tpu.memory_space<vmem>> -> memref<1x64x128xf32, #tpu.memory_space<vmem>>
        %dma_start3A_545 = tpu.memref_squeeze %dma_start3A_544 : memref<1x64x128xf32, #tpu.memory_space<vmem>> -> memref<64x128xf32, #tpu.memory_space<vmem>>
        %dma_start3A_546 = arith.constant 0 : i32
        %dma_start3A_547 = tpu.memref_slice %arg7[%dma_start3A_546, %multiple_of3A_539] : memref<64x100000xf32, #tpu.memory_space<hbm>> -> memref<64x128xf32, #tpu.memory_space<hbm>>
        %dma_start3A_548 = arith.constant 0 : i32
        %dma_start3A_549 = arith.constant 0 : i32
        %dma_start3A_550 = tpu.memref_slice %arg14[%rem3A_541, %dma_start3A_548, %dma_start3A_549] : memref<6x64x128xf32, #tpu.memory_space<vmem>> -> memref<1x64x128xf32, #tpu.memory_space<vmem>>
        %dma_start3A_551 = tpu.memref_squeeze %dma_start3A_550 : memref<1x64x128xf32, #tpu.memory_space<vmem>> -> memref<64x128xf32, #tpu.memory_space<vmem>>
        %dma_start3A_552 = arith.constant 0 : i32
        %dma_start3A_553 = tpu.memref_slice %arg7[%dma_start3A_552, %multiple_of3A_539] : memref<64x100000xf32, #tpu.memory_space<hbm>> -> memref<64x128xf32, #tpu.memory_space<hbm>>
        tpu.enqueue_dma source(%dma_start3A_553 : memref<64x128xf32, #tpu.memory_space<hbm>>) target(%dma_start3A_551 : memref<64x128xf32, #tpu.memory_space<vmem>>) target_semaphore(%arg16 : memref<!tpu.dma_semaphore, #tpu.memory_space<semaphore_mem>>)
      } else {
      }
      %convert_element_type3A_528 = arith.extui %and3A_478 : i1 to i32
      %add3A_529 = arith.addi %while3A_458, %convert_element_type3A_528 : i32
      %convert_element_type3A_530 = arith.extui %and3A_517 : i1 to i32
      %add3A_531 = arith.addi %while3A_459, %convert_element_type3A_530 : i32
      scf.yield %add3A_529, %add3A_531 : i32, i32
    }
    %dma_start3A_377 = arith.constant 0 : i32
    %dma_start3A_378 = arith.constant 0 : i32
    %dma_start3A_379 = arith.constant 0 : i32
    %dma_start3A_380 = tpu.memref_slice %arg15[%dma_start3A_378, %dma_start3A_379] : memref<520x128xf32, #tpu.memory_space<vmem>> -> memref<128x128xf32, #tpu.memory_space<vmem>>
    %dma_start3A_381 = arith.constant 0 : i32
    %dma_start3A_382 = tpu.memref_slice %arg13[%dma_start3A_377, %dma_start3A_381] : memref<4x128xi32, #tpu.memory_space<vmem>> -> memref<1x128xi32, #tpu.memory_space<vmem>>
    %dma_start3A_383 = tpu.memref_squeeze %dma_start3A_382 : memref<1x128xi32, #tpu.memory_space<vmem>> -> memref<128xi32, #tpu.memory_space<vmem>>
    %dma_start3A_384 = arith.constant 0 : i32
    %dma_start3A_385 = arith.constant 0 : i32
    %dma_start3A_386 = tpu.memref_slice %arg9[%dma_start3A_384, %dma_start3A_385] : memref<16384x128xf32, #tpu.memory_space<hbm>> -> memref<16384x128xf32, #tpu.memory_space<hbm>>
    tpu.enqueue_indirect_dma source(%dma_start3A_380 : memref<128x128xf32, #tpu.memory_space<vmem>>) target(%dma_start3A_386 : memref<16384x128xf32, #tpu.memory_space<hbm>>) offsets(%dma_start3A_383 : memref<128xi32, #tpu.memory_space<vmem>>) semaphore(%arg17 : memref<!tpu.dma_semaphore, #tpu.memory_space<semaphore_mem>>)
    %dma_start3A_387 = arith.constant 1 : i32
    %dma_start3A_388 = arith.constant 128 : i32
    %dma_start3A_389 = arith.constant 0 : i32
    %dma_start3A_390 = tpu.memref_slice %arg15[%dma_start3A_388, %dma_start3A_389] : memref<520x128xf32, #tpu.memory_space<vmem>> -> memref<128x128xf32, #tpu.memory_space<vmem>>
    %dma_start3A_391 = arith.constant 0 : i32
    %dma_start3A_392 = tpu.memref_slice %arg13[%dma_start3A_387, %dma_start3A_391] : memref<4x128xi32, #tpu.memory_space<vmem>> -> memref<1x128xi32, #tpu.memory_space<vmem>>
    %dma_start3A_393 = tpu.memref_squeeze %dma_start3A_392 : memref<1x128xi32, #tpu.memory_space<vmem>> -> memref<128xi32, #tpu.memory_space<vmem>>
    %dma_start3A_394 = arith.constant 0 : i32
    %dma_start3A_395 = arith.constant 0 : i32
    %dma_start3A_396 = tpu.memref_slice %arg9[%dma_start3A_394, %dma_start3A_395] : memref<16384x128xf32, #tpu.memory_space<hbm>> -> memref<16384x128xf32, #tpu.memory_space<hbm>>
    tpu.enqueue_indirect_dma source(%dma_start3A_390 : memref<128x128xf32, #tpu.memory_space<vmem>>) target(%dma_start3A_396 : memref<16384x128xf32, #tpu.memory_space<hbm>>) offsets(%dma_start3A_393 : memref<128xi32, #tpu.memory_space<vmem>>) semaphore(%arg17 : memref<!tpu.dma_semaphore, #tpu.memory_space<semaphore_mem>>)
    %dma_start3A_397 = arith.constant 2 : i32
    %dma_start3A_398 = arith.constant 256 : i32
    %dma_start3A_399 = arith.constant 0 : i32
    %dma_start3A_400 = tpu.memref_slice %arg15[%dma_start3A_398, %dma_start3A_399] : memref<520x128xf32, #tpu.memory_space<vmem>> -> memref<128x128xf32, #tpu.memory_space<vmem>>
    %dma_start3A_401 = arith.constant 0 : i32
    %dma_start3A_402 = tpu.memref_slice %arg13[%dma_start3A_397, %dma_start3A_401] : memref<4x128xi32, #tpu.memory_space<vmem>> -> memref<1x128xi32, #tpu.memory_space<vmem>>
    %dma_start3A_403 = tpu.memref_squeeze %dma_start3A_402 : memref<1x128xi32, #tpu.memory_space<vmem>> -> memref<128xi32, #tpu.memory_space<vmem>>
    %dma_start3A_404 = arith.constant 0 : i32
    %dma_start3A_405 = arith.constant 0 : i32
    %dma_start3A_406 = tpu.memref_slice %arg9[%dma_start3A_404, %dma_start3A_405] : memref<16384x128xf32, #tpu.memory_space<hbm>> -> memref<16384x128xf32, #tpu.memory_space<hbm>>
    tpu.enqueue_indirect_dma source(%dma_start3A_400 : memref<128x128xf32, #tpu.memory_space<vmem>>) target(%dma_start3A_406 : memref<16384x128xf32, #tpu.memory_space<hbm>>) offsets(%dma_start3A_403 : memref<128xi32, #tpu.memory_space<vmem>>) semaphore(%arg17 : memref<!tpu.dma_semaphore, #tpu.memory_space<semaphore_mem>>)
    %dma_start3A_407 = arith.constant 3 : i32
    %dma_start3A_408 = arith.constant 384 : i32
    %dma_start3A_409 = arith.constant 0 : i32
    %dma_start3A_410 = tpu.memref_slice %arg15[%dma_start3A_408, %dma_start3A_409] : memref<520x128xf32, #tpu.memory_space<vmem>> -> memref<128x128xf32, #tpu.memory_space<vmem>>
    %dma_start3A_411 = arith.constant 0 : i32
    %dma_start3A_412 = tpu.memref_slice %arg13[%dma_start3A_407, %dma_start3A_411] : memref<4x128xi32, #tpu.memory_space<vmem>> -> memref<1x128xi32, #tpu.memory_space<vmem>>
    %dma_start3A_413 = tpu.memref_squeeze %dma_start3A_412 : memref<1x128xi32, #tpu.memory_space<vmem>> -> memref<128xi32, #tpu.memory_space<vmem>>
    %dma_start3A_414 = arith.constant 0 : i32
    %dma_start3A_415 = arith.constant 0 : i32
    %dma_start3A_416 = tpu.memref_slice %arg9[%dma_start3A_414, %dma_start3A_415] : memref<16384x128xf32, #tpu.memory_space<hbm>> -> memref<16384x128xf32, #tpu.memory_space<hbm>>
    tpu.enqueue_indirect_dma source(%dma_start3A_410 : memref<128x128xf32, #tpu.memory_space<vmem>>) target(%dma_start3A_416 : memref<16384x128xf32, #tpu.memory_space<hbm>>) offsets(%dma_start3A_413 : memref<128xi32, #tpu.memory_space<vmem>>) semaphore(%arg17 : memref<!tpu.dma_semaphore, #tpu.memory_space<semaphore_mem>>)
    %dma_wait3A_417 = arith.constant 0 : i32
    %dma_wait3A_418 = arith.constant 0 : i32
    %dma_wait3A_419 = arith.constant 0 : i32
    %dma_wait3A_420 = tpu.memref_slice %arg15[%dma_wait3A_418, %dma_wait3A_419] : memref<520x128xf32, #tpu.memory_space<vmem>> -> memref<128x128xf32, #tpu.memory_space<vmem>>
    %dma_wait3A_421 = arith.constant 0 : i32
    %dma_wait3A_422 = tpu.memref_slice %arg13[%dma_wait3A_417, %dma_wait3A_421] : memref<4x128xi32, #tpu.memory_space<vmem>> -> memref<1x128xi32, #tpu.memory_space<vmem>>
    %dma_wait3A_423 = tpu.memref_squeeze %dma_wait3A_422 : memref<1x128xi32, #tpu.memory_space<vmem>> -> memref<128xi32, #tpu.memory_space<vmem>>
    %dma_wait3A_424 = arith.constant 0 : i32
    %dma_wait3A_425 = arith.constant 0 : i32
    %dma_wait3A_426 = tpu.memref_slice %arg9[%dma_wait3A_424, %dma_wait3A_425] : memref<16384x128xf32, #tpu.memory_space<hbm>> -> memref<16384x128xf32, #tpu.memory_space<hbm>>
    tpu.wait_indirect_dma semaphore(%arg17 : memref<!tpu.dma_semaphore, #tpu.memory_space<semaphore_mem>>) src(%dma_wait3A_420 : memref<128x128xf32, #tpu.memory_space<vmem>>) dst(%dma_wait3A_426 : memref<16384x128xf32, #tpu.memory_space<hbm>>)
    %dma_wait3A_427 = arith.constant 0 : i32
    %dma_wait3A_428 = arith.constant 0 : i32
    %dma_wait3A_429 = arith.constant 0 : i32
    %dma_wait3A_430 = tpu.memref_slice %arg15[%dma_wait3A_428, %dma_wait3A_429] : memref<520x128xf32, #tpu.memory_space<vmem>> -> memref<128x128xf32, #tpu.memory_space<vmem>>
    %dma_wait3A_431 = arith.constant 0 : i32
    %dma_wait3A_432 = tpu.memref_slice %arg13[%dma_wait3A_427, %dma_wait3A_431] : memref<4x128xi32, #tpu.memory_space<vmem>> -> memref<1x128xi32, #tpu.memory_space<vmem>>
    %dma_wait3A_433 = tpu.memref_squeeze %dma_wait3A_432 : memref<1x128xi32, #tpu.memory_space<vmem>> -> memref<128xi32, #tpu.memory_space<vmem>>
    %dma_wait3A_434 = arith.constant 0 : i32
    %dma_wait3A_435 = arith.constant 0 : i32
    %dma_wait3A_436 = tpu.memref_slice %arg9[%dma_wait3A_434, %dma_wait3A_435] : memref<16384x128xf32, #tpu.memory_space<hbm>> -> memref<16384x128xf32, #tpu.memory_space<hbm>>
    tpu.wait_indirect_dma semaphore(%arg17 : memref<!tpu.dma_semaphore, #tpu.memory_space<semaphore_mem>>) src(%dma_wait3A_430 : memref<128x128xf32, #tpu.memory_space<vmem>>) dst(%dma_wait3A_436 : memref<16384x128xf32, #tpu.memory_space<hbm>>)
    %dma_wait3A_437 = arith.constant 0 : i32
    %dma_wait3A_438 = arith.constant 0 : i32
    %dma_wait3A_439 = arith.constant 0 : i32
    %dma_wait3A_440 = tpu.memref_slice %arg15[%dma_wait3A_438, %dma_wait3A_439] : memref<520x128xf32, #tpu.memory_space<vmem>> -> memref<128x128xf32, #tpu.memory_space<vmem>>
    %dma_wait3A_441 = arith.constant 0 : i32
    %dma_wait3A_442 = tpu.memref_slice %arg13[%dma_wait3A_437, %dma_wait3A_441] : memref<4x128xi32, #tpu.memory_space<vmem>> -> memref<1x128xi32, #tpu.memory_space<vmem>>
    %dma_wait3A_443 = tpu.memref_squeeze %dma_wait3A_442 : memref<1x128xi32, #tpu.memory_space<vmem>> -> memref<128xi32, #tpu.memory_space<vmem>>
    %dma_wait3A_444 = arith.constant 0 : i32
    %dma_wait3A_445 = arith.constant 0 : i32
    %dma_wait3A_446 = tpu.memref_slice %arg9[%dma_wait3A_444, %dma_wait3A_445] : memref<16384x128xf32, #tpu.memory_space<hbm>> -> memref<16384x128xf32, #tpu.memory_space<hbm>>
    tpu.wait_indirect_dma semaphore(%arg17 : memref<!tpu.dma_semaphore, #tpu.memory_space<semaphore_mem>>) src(%dma_wait3A_440 : memref<128x128xf32, #tpu.memory_space<vmem>>) dst(%dma_wait3A_446 : memref<16384x128xf32, #tpu.memory_space<hbm>>)
    %dma_wait3A_447 = arith.constant 0 : i32
    %dma_wait3A_448 = arith.constant 0 : i32
    %dma_wait3A_449 = arith.constant 0 : i32
    %dma_wait3A_450 = tpu.memref_slice %arg15[%dma_wait3A_448, %dma_wait3A_449] : memref<520x128xf32, #tpu.memory_space<vmem>> -> memref<128x128xf32, #tpu.memory_space<vmem>>
    %dma_wait3A_451 = arith.constant 0 : i32
    %dma_wait3A_452 = tpu.memref_slice %arg13[%dma_wait3A_447, %dma_wait3A_451] : memref<4x128xi32, #tpu.memory_space<vmem>> -> memref<1x128xi32, #tpu.memory_space<vmem>>
    %dma_wait3A_453 = tpu.memref_squeeze %dma_wait3A_452 : memref<1x128xi32, #tpu.memory_space<vmem>> -> memref<128xi32, #tpu.memory_space<vmem>>
    %dma_wait3A_454 = arith.constant 0 : i32
    %dma_wait3A_455 = arith.constant 0 : i32
    %dma_wait3A_456 = tpu.memref_slice %arg9[%dma_wait3A_454, %dma_wait3A_455] : memref<16384x128xf32, #tpu.memory_space<hbm>> -> memref<16384x128xf32, #tpu.memory_space<hbm>>
    tpu.wait_indirect_dma semaphore(%arg17 : memref<!tpu.dma_semaphore, #tpu.memory_space<semaphore_mem>>) src(%dma_wait3A_450 : memref<128x128xf32, #tpu.memory_space<vmem>>) dst(%dma_wait3A_456 : memref<16384x128xf32, #tpu.memory_space<hbm>>)
    return
  }
}

module attributes {stable_mosaic.version = 14 : i64} {
  func.func @_mlp_body(%arg0: i32, %arg1: memref<4096x128xf32, #tpu.memory_space<vmem>>, %arg2: memref<4096x128xf32, #tpu.memory_space<vmem>>, %arg3: memref<64x64xf32, #tpu.memory_space<vmem>>, %arg4: memref<64x64xf32, #tpu.memory_space<vmem>>, %arg5: memref<1x64xf32, #tpu.memory_space<vmem>>, %arg6: memref<1x64xf32, #tpu.memory_space<vmem>>, %arg7: memref<1xf32, #tpu.memory_space<smem>>, %arg8: memref<4096xf32, #tpu.memory_space<vmem>>) attributes {dimension_semantics = [#tpu.dimension_semantics<arbitrary>], iteration_bounds = array<i64: 4>, scalar_prefetch = 0 : i64, scratch_operands = 0 : i64, tpu.core_type = #tpu.core_type<tc>, window_params = [{transform_indices = @transform_0, window_bounds = array<i64: 4096, 128>}, {transform_indices = @transform_1, window_bounds = array<i64: 4096, 128>}, {pipeline_mode = #tpu.pipeline_mode<synchronous>, transform_indices = @transform_2, window_bounds = array<i64: 64, 64>}, {pipeline_mode = #tpu.pipeline_mode<synchronous>, transform_indices = @transform_3, window_bounds = array<i64: 64, 64>}, {pipeline_mode = #tpu.pipeline_mode<synchronous>, transform_indices = @transform_4, window_bounds = array<i64: 1, 64>}, {pipeline_mode = #tpu.pipeline_mode<synchronous>, transform_indices = @transform_5, window_bounds = array<i64: 1, 64>}, {transform_indices = @transform_6, window_bounds = array<i64: 1>}, {transform_indices = @transform_7, window_bounds = array<i64: 4096>}]} {
    %get3A = arith.constant 0 : index
    %get3A_0 = arith.constant 0 : index
    %get3A_1 = vector.load %arg1[%get3A, %get3A_0] : memref<4096x128xf32, #tpu.memory_space<vmem>>, vector<4096x128xf32>
    %slice3A = vector.extract_strided_slice %get3A_1 {offsets = [0, 0], sizes = [4096, 64], strides = [1, 1]} : vector<4096x128xf32> to vector<4096x64xf32>
    %get3A_2 = arith.constant 0 : index
    %get3A_3 = arith.constant 0 : index
    %get3A_4 = vector.load %arg2[%get3A_2, %get3A_3] : memref<4096x128xf32, #tpu.memory_space<vmem>>, vector<4096x128xf32>
    %slice3A_5 = vector.extract_strided_slice %get3A_4 {offsets = [0, 0], sizes = [4096, 64], strides = [1, 1]} : vector<4096x128xf32> to vector<4096x64xf32>
    %get3A_6 = arith.constant 0 : index
    %get3A_7 = arith.constant 0 : index
    %get3A_8 = vector.load %arg3[%get3A_6, %get3A_7] : memref<64x64xf32, #tpu.memory_space<vmem>>, vector<64x64xf32>
    %dot_general3A = arith.constant dense<0.000000e+00> : vector<4096x64xf32>
    %dot_general3A_9 = tpu.matmul %slice3A, %get3A_8, %dot_general3A {dimension_numbers = #tpu.dot_dimension_numbers<[1], [0], [0], [1], [0, 0, 1, 1], [], []>, transpose_lhs_hint = false} : vector<4096x64xf32>, vector<64x64xf32>, vector<4096x64xf32> -> vector<4096x64xf32>
    %get3A_10 = arith.constant 0 : index
    %get3A_11 = arith.constant 0 : index
    %get3A_12 = vector.load %arg4[%get3A_10, %get3A_11] : memref<64x64xf32, #tpu.memory_space<vmem>>, vector<64x64xf32>
    %dot_general3A_13 = arith.constant dense<0.000000e+00> : vector<4096x64xf32>
    %dot_general3A_14 = tpu.matmul %slice3A_5, %get3A_12, %dot_general3A_13 {dimension_numbers = #tpu.dot_dimension_numbers<[1], [0], [0], [1], [0, 0, 1, 1], [], []>, transpose_lhs_hint = false} : vector<4096x64xf32>, vector<64x64xf32>, vector<4096x64xf32> -> vector<4096x64xf32>
    %add3A = arith.addf %dot_general3A_9, %dot_general3A_14 : vector<4096x64xf32>
    %get3A_15 = arith.constant 0 : index
    %get3A_16 = arith.constant 0 : index
    %get3A_17 = vector.load %arg5[%get3A_15, %get3A_16] : memref<1x64xf32, #tpu.memory_space<vmem>>, vector<1x64xf32>
    %add3A_18 = vector.broadcast %get3A_17 : vector<1x64xf32> to vector<4096x64xf32>
    %add3A_19 = arith.addf %add3A, %add3A_18 : vector<4096x64xf32>
    %max3A = arith.constant 0.000000e+00 : f32
    %max3A_20 = vector.broadcast %max3A : f32 to vector<4096x64xf32>
    %max3A_21 = arith.maximumf %add3A_19, %max3A_20 : vector<4096x64xf32>
    %get3A_22 = arith.constant 0 : index
    %get3A_23 = arith.constant 0 : index
    %get3A_24 = vector.load %arg6[%get3A_22, %get3A_23] : memref<1x64xf32, #tpu.memory_space<vmem>>, vector<1x64xf32>
    %mul3A = vector.broadcast %get3A_24 : vector<1x64xf32> to vector<4096x64xf32>
    %mul3A_25 = arith.mulf %max3A_21, %mul3A : vector<4096x64xf32>
    %reduce_sum3A = arith.constant dense<0.000000e+00> : vector<4096xf32>
    %reduce_sum3A_26 = vector.multi_reduction <add>, %mul3A_25, %reduce_sum3A [1] : vector<4096x64xf32> to vector<4096xf32>
    %get3A_27 = arith.constant 0 : index
    %get3A_28 = memref.load %arg7[%get3A_27] : memref<1xf32, #tpu.memory_space<smem>>
    %add3A_29 = vector.broadcast %get3A_28 : f32 to vector<4096xf32>
    %add3A_30 = arith.addf %reduce_sum3A_26, %add3A_29 : vector<4096xf32>
    %swap3A = arith.constant 0 : index
    %swap3A_31 = vector.load %arg8[%swap3A] : memref<4096xf32, #tpu.memory_space<vmem>>, vector<4096xf32>
    tpu.vector_store %arg8[%swap3A], %add3A_30 {strides = array<i32>} : memref<4096xf32, #tpu.memory_space<vmem>>, vector<4096xf32>,
    return
  }
  func.func @transform_0(%arg0: i32) -> (i32, i32) {
    %c0_i32 = arith.constant 0 : i32
    %c0_i32_0 = arith.constant 0 : i32
    return %arg0, %c0_i32 : i32, i32
  }
  func.func @transform_1(%arg0: i32) -> (i32, i32) {
    %c0_i32 = arith.constant 0 : i32
    %c0_i32_0 = arith.constant 0 : i32
    return %arg0, %c0_i32 : i32, i32
  }
  func.func @transform_2(%arg0: i32) -> (i32, i32) {
    %c0_i32 = arith.constant 0 : i32
    %c0_i32_0 = arith.constant 0 : i32
    %c0_i32_1 = arith.constant 0 : i32
    return %c0_i32, %c0_i32_0 : i32, i32
  }
  func.func @transform_3(%arg0: i32) -> (i32, i32) {
    %c0_i32 = arith.constant 0 : i32
    %c0_i32_0 = arith.constant 0 : i32
    %c0_i32_1 = arith.constant 0 : i32
    return %c0_i32, %c0_i32_0 : i32, i32
  }
  func.func @transform_4(%arg0: i32) -> (i32, i32) {
    %c0_i32 = arith.constant 0 : i32
    %c0_i32_0 = arith.constant 0 : i32
    %c0_i32_1 = arith.constant 0 : i32
    return %c0_i32, %c0_i32_0 : i32, i32
  }
  func.func @transform_5(%arg0: i32) -> (i32, i32) {
    %c0_i32 = arith.constant 0 : i32
    %c0_i32_0 = arith.constant 0 : i32
    %c0_i32_1 = arith.constant 0 : i32
    return %c0_i32, %c0_i32_0 : i32, i32
  }
  func.func @transform_6(%arg0: i32) -> i32 {
    %c0_i32 = arith.constant 0 : i32
    %c0_i32_0 = arith.constant 0 : i32
    return %c0_i32 : i32
  }
  func.func @transform_7(%arg0: i32) -> i32 {
    %c0_i32 = arith.constant 0 : i32
    return %arg0 : i32
  }
}

</mosaic_0001>

<sc_bundles>
// kernel: kernel.4.cloned.1.call-start
scs
__scs_entry_jumppad:
0x0: {  	(pc) =	sbr.rel $0x88, $3  }
0x1: {  	(tag) =	ssettag $0x0;
	lr =	simm.s32 $0x1  }
0x2: {  	[smem:$0x3F99] =	sst lr;
	_ =	strace $0xD0000000  }
0x3: {  	_ = 	snop  }
0x4: {  	_ = 	snop  }
0x5: {  	_ = 	snop  }
0x6: {  	_ = 	snop  }
0x7: {  	_ = 	snop  }
__scs_overlays_trampoline_lowered:
0x8: {  	[smem:$0x3FA8] =	sst s0  }
0x9: {  	[smem:$0x3FA9] =	sst s1  }
0xa: {  	[smem:$0x3FAA] =	sst s2  }
0xb: {  	[smem:$0x3FAB] =	sst s3  }
0xc: {  	[smem:$0x3FAC] =	sst s4  }
0xd: {  	[smem:$0x3FAD] =	sst s5  }
0xe: {  	[smem:$0x3FAE] =	sst s6  }
0xf: {  	[smem:$0x3FAF] =	sst s7  }
0x10: {  	[smem:$0x3FB0] =	sst s8  }
0x11: {  	[smem:$0x3FB1] =	sst s9;
	s0 =	simm.s32 @!p0 $0x0  }
0x12: {  	s1 =	sld [smem:$0x3F97];
	s0 =	simm.s32 @p0 $0x1  }
0x13: {  	[smem:$0x3FB2] =	sst s0;
	s0 =	simm.s32 @!p1 $0x0  }
0x14: {  	s2 =	sld [smem:$0x3F96];
	s0 =	simm.s32 @p1 $0x1  }
0x15: {  	[smem:$0x3FB3] =	sst s0;
	s0 =	simm.s32 @!p2 $0x0  }
0x16: {  	s3 =	sld [smem:$0x3FDB];
	s0 =	simm.s32 @p2 $0x1  }
0x17: {  	s4 =	simm.s32 $0x1BF5;
	[smem:$0x3FB5] =	sst s0  }
0x18: {  	s0 =	sld [smem:$0x3F98];
	_ =	swait.ge [sflag:s4], $0x0  }
0x19: {  	s7 =	sld [smem:$0x3F99]  }
0x1a: {  	s8 =	sadd.s32 $0xFFFFE003, lr  }
0x1b: {  	s9 =	sadd.s32 $0xFFFFFEF7, lr;
	s5 =	simm.s32 $0xFFFFFFFF;
	p2 =	slt.u32 s8, $0xFFFFF086  }
0x1c: {  	p1 =	slt.u32 s9, $0xF7A;
	s5 =	simm.s32 @!p2 $0x0  }
0x1d: {  	s5 =	simm.s32 @p1 $0x1;
	p0 =	seq.s32 s7, s2  }
0x1e: {  	s7 =	smul.u32 @!p0 $0xF7A, s2;
	p2 =	seq.s32 @!p0 s5, $0x0  }
0x1f: {  	s9 =	smul.u32 $0xF7A, s1;
	s8 =	simm.s32 @!p0 $0x1BF5;
	p2 =	por !p2, p0  }
0x20: {  	[sflag:s8] =	ssyncset.s32 @!p0 $0xFFFFF086;
	s6 =	sadd.s32 @!p0 s3, s7;
	s7 =	simm.s32 @!p0 $0x108  }
0x21: {  	s3 =	sadd.s32 s3, s9;
	s6 =	sadd.s32 @!p0 $0x88, s6;
	s7 =	simm.s32 @p2 $0x1082  }
0x22: {  	[simem:s7], [sflag:s8] =	dma.local @!p0 [hbm:s6], $0xF7A  }
0x23: {  	s9 =	sor.u32 $0xD0000000, s2;
	s6 =	simm.s32 $0x108;
	_ =	swait.ge @!p0 [sflag:s8], $0x0  }
0x24: {  	s3 =	sadd.s32 $0x88, s3;
	s6 =	simm.s32 @!p1 $0x1082;
	[sflag:s4] =	ssyncset.s32 $0xFFFFF086  }
0x25: {  	[simem:s6], [sflag:s4] =	dma.local [hbm:s3], $0xF7A  }
0x26: {  	[smem:$0x3F99] =	sst s1;
	(tag) =	ssettag s2;
	_ =	strace s9  }
0x27: {  	s1 =	sld [smem:$0x3FA9]  }
0x28: {  	s2 =	sld [smem:$0x3FAA]  }
0x29: {  	s4 =	sld [smem:$0x3FAC]  }
0x2a: {  	p0 =	seq.s32 s5, $0x0;
	s5 =	sld [smem:$0x3FAD]  }
0x2b: {  	s6 =	sld [smem:$0x3FAE]  }
0x2c: {  	s7 =	sld [smem:$0x3FAF]  }
0x2d: {  	s3 =	simm.s32 $0x108;
	s8 =	sld [smem:$0x3FB0]  }
0x2e: {  	s3 =	simm.s32 @!p0 $0x1082;
	s9 =	sld [smem:$0x3FB1]  }
0x2f: {  	lr =	sadd.s32 s0, s3;
	s0 =	sld [smem:$0x3FA8]  }
0x30: {  	s3 =	sld [smem:$0x3FAB]  }
0x31: {  	[smem:$0x3FB4] =	sst s10  }
0x32: {  	s10 =	sld [smem:$0x3FB2];
	_ =	sdelay $0x3  }
0x33: {  	p0 =	seq.s32 s10, $0x1;
	s10 =	sld [smem:$0x3FB4];
	_ =	sdelay $0x3  }
0x34: {  	[smem:$0x3FB4] =	sst s10  }
0x35: {  	s10 =	sld [smem:$0x3FB3];
	_ =	sdelay $0x3  }
0x36: {  	p1 =	seq.s32 s10, $0x1;
	s10 =	sld [smem:$0x3FB4];
	_ =	sdelay $0x3  }
0x37: {  	[smem:$0x3FB4] =	sst s10  }
0x38: {  	s10 =	sld [smem:$0x3FB5]  }
0x39: {  	_ = 	snop;
	(pc) =	sbr.ind lr, $3  }
0x3a: {  	_ = 	snop  }
0x3b: {  	_ = 	snop  }
0x3c: {  	p2 =	seq.s32 s10, $0x1;
	s10 =	sld [smem:$0x3FB4]  }
0x3d: {  	_ =	shalt  }
0x3e: {  	_ =	shalt  }
0x3f: {  	_ =	shalt  }
0x40: {  	_ =	shalt  }
0x41: {  	_ =	shalt  }
0x42: {  	_ =	shalt  }
0x43: {  	_ =	shalt  }
0x44: {  	_ =	shalt  }
0x45: {  	_ =	shalt  }
0x46: {  	_ =	shalt  }
0x47: {  	_ =	shalt  }
0x48: {  	_ =	shalt  }
0x49: {  	_ =	shalt  }
0x4a: {  	_ =	shalt  }
0x4b: {  	_ =	shalt  }
0x4c: {  	_ =	shalt  }
0x4d: {  	_ =	shalt  }
0x4e: {  	_ =	shalt  }
0x4f: {  	_ =	shalt  }
0x50: {  	_ =	shalt  }
0x51: {  	_ =	shalt  }
0x52: {  	_ =	shalt  }
0x53: {  	_ =	shalt  }
0x54: {  	_ =	shalt  }
0x55: {  	_ =	shalt  }
0x56: {  	_ =	shalt  }
0x57: {  	_ =	shalt  }
0x58: {  	_ =	shalt  }
0x59: {  	_ =	shalt  }
0x5a: {  	_ =	shalt  }
0x5b: {  	_ =	shalt  }
0x5c: {  	_ =	shalt  }
0x5d: {  	_ =	shalt  }
0x5e: {  	_ =	shalt  }
0x5f: {  	_ =	shalt  }
0x60: {  	_ =	shalt  }
0x61: {  	_ =	shalt  }
0x62: {  	_ =	shalt  }
0x63: {  	_ =	shalt  }
0x64: {  	_ =	shalt  }
0x65: {  	_ =	shalt  }
0x66: {  	_ =	shalt  }
0x67: {  	_ =	shalt  }
0x68: {  	_ =	shalt  }
0x69: {  	_ =	shalt  }
0x6a: {  	_ =	shalt  }
0x6b: {  	_ =	shalt  }
0x6c: {  	_ =	shalt  }
0x6d: {  	_ =	shalt  }
0x6e: {  	_ =	shalt  }
0x6f: {  	_ =	shalt  }
0x70: {  	_ =	shalt  }
0x71: {  	_ =	shalt  }
0x72: {  	_ =	shalt  }
0x73: {  	_ =	shalt  }
0x74: {  	_ =	shalt  }
0x75: {  	_ =	shalt  }
0x76: {  	_ =	shalt  }
0x77: {  	_ =	shalt  }
0x78: {  	_ =	shalt  }
0x79: {  	_ =	shalt  }
0x7a: {  	_ =	shalt  }
0x7b: {  	_ =	shalt  }
0x7c: {  	_ =	shalt  }
0x7d: {  	_ =	shalt  }
0x7e: {  	_ =	shalt  }
0x7f: {  	_ =	shalt  }
0x80: {  	_ =	shalt  }
0x81: {  	_ =	shalt  }
0x82: {  	_ =	shalt  }
0x83: {  	_ =	shalt  }
0x84: {  	_ =	shalt  }
0x85: {  	_ =	shalt  }
0x86: {  	_ =	shalt  }
0x87: {  	_ =	shalt  }
.Lfunc_end0:
.L_simem_size_0:
called_computation_lowered:
.L_overlay_start_0:
0x88: {  	s2 =	sld [smem:$0x3FD9]  }
0x89: {  	s3 =	sld [smem:$0x3FFE];
	_ =	sdelay $0x1  }
0x8a: {  	s1 =	srdreg.scid  }
0x8b: {  	s0 =	sand.u32 $0x1, s1  }
0x8c: {  	s17 =	sshll.u32 s0, $0xA;
	s2 =	sadd.s32 s3, s2  }
0x8d: {  	s2 =	sadd.s32 s2, s17  }
0x8e: {  	[smem:$0x3FC0] =	sst s2  }
0x8f: {  	_ = 	snop  }
0x90: {  	s2 =	sld [smem:$0x3FC7]  }
0x91: {  	s18 =	sld [smem:$0x3FC6]  }
0x92: {  	s4 =	sld [smem:$0x3FD0];
	(tm) =	ssettm $0x1  }
0x93: {  	s5 =	sld [smem:$0x3FFB];
	_ =	sdelay $0x3  }
0x94: {  	_ =	strace s5  }
0x95: {  	s5 =	sld [smem:$0x3FFC];
	_ =	sdelay $0x3  }
0x96: {  	_ =	strace s5  }
0x97: {  	s5 =	sld [smem:$0x3FFD];
	_ =	sdelay $0x3  }
0x98: {  	_ =	strace s5  }
0x99: {  	_ =	strace $0x8FFFFFFF  }
0x9a: {  	s19 =	sld [smem:$0x3FDB];
	_ =	sdelay $0x1  }
0x9b: {  	s6 =	simm.s32 $_scs_section_size  }
0x9c: {  	s7 =	simm.s32 $_size__tile_overlayer_lowered;
	s8 =	simm.s32 $_tile_overlayer_lowered  }
0x9d: {  	s22 =	simm.s32 $0x1BFF;
	s21 =	sshll.u32 s8, $0x1;
	s5 =	sadd.s32 s6, s19  }
0x9e: {  	s9 =	simm.s32 $0x0;
	s20 =	sshll.u32 s7, $0x1;
	s7 =	sadd.s32 s21, s5  }
0x9f: {  	[timem:s9], [sflag:s22] =	dma.local [hbm:s7], s20  }
0xa0: {  	_ =	swait.ge [sflag:s22], s20  }
0xa1: {  	s6 =	ssub.s32 $0x0, s20;
	[sflag:s22] =	ssyncset.done $0x0  }
0xa2: {  	[sflag:s22] =	ssyncadd.s32 s6;
	_ =	sdelay $0x1  }
0xa3: {  	s23 =	simm.s32 $0x1B8B  }
0xa4: {  	_ =	swait.ge [sflag:s23], $0x1  }
0xa5: {  	[sflag:s23] =	ssyncset.done $0x0  }
0xa6: {  	s25 =	simm.s32 $0x1B8E;
	s24 =	sld [smem:$0x3FFE];
	[sflag:s23] =	ssyncadd.s32 $0xFFFFFFFF  }
0xa7: {  	s26 =	simm.s32 $execute0_lowered;
	[smem:$0x3FD2] =	sst s25  }
0xa8: {  	s7 =	sshll.u32 s26, $0x1;
	_ =	strace $0x80000046;
	[dreg:$0x1] =	wrdreg $0xFFFFFFFF  }
0xa9: {  	s28 =	simm.s32 $_size_execute0_lowered;
	s5 =	sadd.s32 s5, s7;
	[dreg:$0x0] =	wrdreg $0x0  }
0xaa: {  	s7 =	sshll.u32 s28, $0x1;
	[dreg:$0x2] =	wrdreg s5  }
0xab: {  	[dreg:$0x3] =	wrdreg s7  }
0xac: {  	[dreg:$0x4] =	wrdreg $0xC0  }
0xad: {  	_ =	task [dreg:s9], $0x5FFFF  }
0xae: {  	[dreg:$0x1] =	wrdreg $0xFFFFFFFF  }
0xaf: {  	[dreg:$0x0] =	wrdreg $0x60  }
0xb0: {  	[dreg:$0x2] =	wrdreg s4  }
0xb1: {  	[dreg:$0x3] =	wrdreg s24  }
0xb2: {  	[dreg:$0x4] =	wrdreg s2  }
0xb3: {  	[dreg:$0x5] =	wrdreg s18  }
0xb4: {  	[dreg:$0x6] =	wrdreg $0x9  }
0xb5: {  	_ =	task.clear_ibuf [dreg:s9], $0x7FFFF;
	_ =	strace $0x90000046  }
0xb6: {  	s29 =	simm.s32 $0x9;
	_ =	strace $0x80000048  }
0xb7: {  	_ =	swait.ge [sflag:s29], $0x1  }
0xb8: {  	[sflag:s29] =	ssyncadd.s32 $0xFFFFFFFF  }
0xb9: {  	_ =	strace $0x90000048  }
0xba: {  	_ =	sfence  }
0xbb: {  	s30 =	sld [smem:$0x0];
	_ =	sdelay $0x2  }
0xbc: {  	s31 =	sshll.u32 s1, $0xD;
	s1 =	sshrl.u32 s1, $0x2  }
0xbd: {  	s3 =	sand.u32 $0x4000, s31;
	s1 =	sadd.s32 s1, s30  }
0xbe: {  	s0 =	sor.u32 s3, s0;
	s1 =	sshll.u32 s1, $0x11  }
0xbf: {  	s0 =	sor.u32 s1, s0  }
0xc0: {  	s0 =	sadd.s32 $0x8F2B, s0  }
0xc1: {  	[sflag:s0] =	ssyncadd.remote.s32 $0x1  }
0xc2: {  	_ =	sfence.sel $0xFFFF  }
0xc3: {  	[dreg:$0x0] =	wrdreg $0xFFFFFFFF;
	(pc) =	sbr.abs _section_cstart, $3  }
0xc4: {  	[dreg:$0x1] =	wrdreg $0xFFFFFFFF  }
0xc5: {  	_ =	task.clear_ibuf [dreg:s9], $0x2FFFF;
	_ =	strace $0x9FFFFFFF  }
0xc6: {  	(tm) =	ssettm $0x7FFFFFFF  }
0xc7: {  	_ =	shalt  }
tec
execute0_lowered:
.L_overlay_start_1:
0x0: {  	(tag) =	ssettag $0x1  }
0x1: {  	s0 =	rddreg [dreg:$0x0]  }
0x2: {  	s3 =	rddreg [dreg:$0x1]  }
0x3: {  	s1 =	rddreg [dreg:$0x2]  }
0x4: {  	s2 =	rddreg [dreg:$0x3];
	s4 =	simm.s32 $0x0;
	s5 =	srdreg.scid  }
0x5: {  	s6 =	stileid.u32;
	s12 =	simm.s32 $0x3;
	s18 =	simm.s32 $0x500  }
0x6: {  	s16 =	simm.s32 $0x1;
	s17 =	simm.s32 $0x400;
	s10 =	simm.s32 $0x7A1400  }
0x7: {  	s19 =	simm.s32 $0x900;
	s21 =	simm.s32 $0xC900;
	s22 =	simm.s32 $0x80  }
0x8: {  	s24 =	simm.s32 $0x10900;
	s26 =	simm.s32 $0x14900;
	s29 =	simm.s32 $0x18900  }
0x9: {  	s30 =	simm.s32 $0x2;
	s20 =	simm.s32 $0xC3800;
	s23 =	simm.s32 $0x0  }
0xa: {  	[smem:$0x7FF] =	sst s4;
	s5 =	sand.u32 $0x1, s5;
	s6 =	sshll.u32 s6, $0x7  }
0xb: {  	_ =	strace $0x80000047;
	s7 =	ssub.s32 $0x2, s5;
	s8 =	sshll.u32 s5, $0x6  }
.Ltmp0:
0xc: {  	s9 =	sshrl.u32 s7, $0x1;
	s8 =	sor.u32 s8, s6;
	(pc) =	sbr.rel .LBB2_1-.Ltmp0, $4  }
0xd: {  	v0 =	vlaneseq.u32;
	s9 =	ssub.s32 s7, s9;
	s7 =	sadd.s32 s3, s8;
	s0 =	sadd.s32 s0, s8  }
0xe: {  	v1 =	vmul.u32 $0x80, v0;
	s5 =	sadd.s32 $0x1800, s3;
	[dreg:$0x5] =	wrdreg s0;
	s28 =	sadd.s32 $0x800, s7  }
0xf: {  	v3 =	vor.u32 $0x10, v0;
	v5 =	vor.u32 $0x20, v0;
	v7 =	vor.u32 $0x30, v0;
	s6 =	sadd.s32 $0x41800, s3;
	s31 =	sadd.s32 $0x1000, s7;
	[dreg:$0x6] =	wrdreg s28  }
0x10: {  	v2 =	vor.u32 $0x800, v1;
	v4 =	vor.u32 $0x1000, v1;
	v6 =	vor.u32 $0x1800, v1;
	s8 =	simm.s32 $0x700;
	s11 =	smax.u32 s9, $0x1;
	[dreg:$0x7] =	wrdreg s31  }
.LBB2_13:
0x11: {  	s3 =	simm.s32 $0x0  }
.LBB2_16:
0x12: {  	s10 =	smov.u32 s0;
	p0 =	por !p0, !p1  }
0x13: {  	s10 =	simm.s32 @!p4 $0x1FF;
	[sflag:s14] =	ssyncadd.s32 @!p0 $0xFFFFE000;
	p0 =	por p3, !p1  }
0x14: {  	[tilespmem:s9], [sflag:$0x1] =	stream.strided.gather @!p0 [hbm4b:s15+s8], $0x2000, s19, s8, $0x38;
	[tilespmem:$0x1CD00] =	vst v63  }
0x15: {  	v8 =	vld [tilespmem:s10+$0x280];
	_ =	sdelay $0x4  }
0x16: {  	(v2sf) =	vpush v8, $0x0;
	_ =	sdelay $0xe  }
0x17: {  	s15 =	spop (v2sf)  }
0x18: {  	s9 =	ssub.s32 s15, s18  }
0x19: {  	p0 =	sgt.s32 s9, $0x0  }
0x1a: {  	s9 =	simm.s32 @!p0 $0x0  }
0x1b: {  	s19 =	sadd.s32 $0x80, s18;
	s9 =	smin.u32 s9, $0x7F  }
0x1c: {  	p4 =	slt.s32 s0, $0x200;
	p5 =	slt.s32 s15, s19;
	v8 =	vor.u32 s9, v1  }
0x1d: {  	p0 =	por !p4, !p5  }
0x1e: {  	p1 =	por !p0, !p0  }
0x1f: {  	s0 =	simm.s32 @!p1 $0x200  }
0x20: {  	s20 =	sor.u32 $0x900, s20;
	s0 =	sshll.u32 s0, $0x7  }
0x21: {  	v9 =	vor.u32 s0, v0;
	v8 =	vld.idx.msk [tilespmem:v8+s20+$0x0], $0xffff  }
0x22: {  	v10 =	vor.u32 s9, v2;
	_ =	sdelay $0x3  }
0x23: {  	[tilespmem:v9+s21+$0x0] =	vst.idx.msk $0xffff, v8  }
0x24: {  	v59 =	vor.u32 s0, v3;
	v8 =	vld.idx.msk [tilespmem:v10+s20+$0x0], $0xffff  }
0x25: {  	v60 =	vor.u32 s9, v4;
	_ =	sdelay $0x1  }
0x26: {  	p6 =	sle.s32 s31, s28  }
0x27: {  	p0 =	por !p6, !p0  }
0x28: {  	p0 =	por !p0, !p0;
	[tilespmem:v59+s21+$0x0] =	vst.idx.msk $0xffff, v8  }
0x29: {  	s3 =	sadd.s32 @p0 $0x6, s3;
	v61 =	vor.u32 s0, v5;
	v8 =	vld.idx.msk [tilespmem:v60+s20+$0x0], $0xffff  }
0x2a: {  	v62 =	vor.u32 s9, v6;
	p2 =	sgt.s32 @p0 s3, s28  }
0x2b: {  	p1 =	por p2, !p0  }
0x2c: {  	s9 =	smulhi.u32 @!p1 $0x2AAAAAAB, s3;
	s10 =	sshra.s32 @!p1 s3, $0x1F  }
0x2d: {  	s10 =	smul.u32 @!p1 $0x2AAAAAAB, s10  }
0x2e: {  	[tilespmem:v61+s21+$0x0] =	vst.idx.msk $0xffff, v8  }
0x2f: {  	v63 =	vor.u32 s0, v7;
	s13 =	sadd.s32 @!p1 s25, s3;
	s8 =	sadd.s32 @!p1 s10, s9;
	v8 =	vld.idx.msk [tilespmem:v62+s20+$0x0], $0xffff  }
0x30: {  	s0 =	sshll.u32 @!p1 s13, $0x7;
	s9 =	sshrl.u32 @!p1 s8, $0x1F  }
0x31: {  	p3 =	slt.s32 @!p1 s0, $0x18680;
	s8 =	sadd.s32 @!p1 s9, s8  }
0x32: {  	s18 =	simm.s32 $0x500;
	p2 =	por @p0 !p3, p2;
	s8 =	smul.u32 @!p1 $0x6, s8  }
0x33: {  	s19 =	simm.s32 $0x900;
	s10 =	simm.s32 @!p1 $0x400;
	p2 =	por !p2, !p0  }
0x34: {  	s0 =	simm.s32 @!p2 $0x18680;
	s3 =	ssub.s32 @!p1 s3, s8;
	s8 =	simm.s32 @p0 $0x1;
	[tilespmem:v63+s21+$0x0] =	vst.idx.msk $0xffff, v8  }
0x35: {  	s9 =	simm.s32 @!p1 $0xC3800;
	s3 =	sshll.u32 @!p1 s3, $0xF;
	_ =	swait.ge @p0 [sflag:s8], $0x2000  }
0x36: {  	s0 =	sadd.s32 @!p1 s2, s0;
	s3 =	sshra.s32 @!p1 s3, $0x2;
	[sflag:s8] =	ssyncset.done @p0 $0x0  }
0x37: {  	s3 =	sor.u32 @!p1 $0x900, s3;
	s20 =	simm.s32 $0xC3800;
	[sflag:s8] =	ssyncadd.s32 @p0 $0xFFFFE000  }
0x38: {  	[tilespmem:s3], [sflag:$0x1] =	stream.strided.gather @!p1 [hbm4b:s0+s10], $0x2000, s9, s10, $0x38;
	[tilespmem:$0x1CD00] =	vst v63  }
.LBB2_17:
0x39: {  	s8 =	simm.s32 $0x700  }
0x3a: {  	[hbm4b:s6+s22] =	stream.indirect.scatter [tilespmem:s21], [sflag:$0x2], $0x80, s8, s22, $0xb8;
	[tilespmem:$0x1CD00] =	vst v63  }
0x3b: {  	s0 =	simm.s32 $0x780  }
0x3c: {  	[hbm4b:s6+s22] =	stream.indirect.scatter [tilespmem:s24], [sflag:$0x2], $0x80, s0, s22, $0xb8;
	[tilespmem:$0x1CD00] =	vst v63  }
0x3d: {  	s28 =	simm.s32 $0x800  }
0x3e: {  	[hbm4b:s6+s22] =	stream.indirect.scatter [tilespmem:s26], [sflag:$0x2], $0x80, s28, s22, $0xb8;
	[tilespmem:$0x1CD00] =	vst v63  }
0x3f: {  	s31 =	simm.s32 $0x880  }
0x40: {  	[hbm4b:s6+s22] =	stream.indirect.scatter [tilespmem:s29], [sflag:$0x2], $0x80, s31, s22, $0xb8;
	[tilespmem:$0x1CD00] =	vst v63  }
0x41: {  	_ =	swait.ge [sflag:s30], $0x4000  }
0x42: {  	[sflag:s30] =	ssyncset.done $0x0  }
0x43: {  	[sflag:s30] =	ssyncadd.s32 $0xFFFFC000  }
0x44: {  	_ =	swait.ge [sflag:s30], $0x4000  }
0x45: {  	[sflag:s30] =	ssyncset.done $0x0  }
0x46: {  	s23 =	sadd.s32 $0x1, s23;
	[sflag:s30] =	ssyncadd.s32 $0xFFFFC000  }
0x47: {  	p0 =	sne.s32 s23, s11;
	_ =	swait.ge [sflag:s30], $0x4000  }
.Ltmp1:
0x48: {  	[sflag:s30] =	ssyncset.done $0x0;
	(pc) =	sbr.rel @!p0 .LBB2_18-.Ltmp1, $4  }
0x49: {  	[sflag:s30] =	ssyncadd.s32 $0xFFFFC000  }
0x4a: {  	_ =	swait.ge [sflag:s30], $0x4000  }
0x4b: {  	[sflag:s30] =	ssyncset.done $0x0  }
0x4c: {  	s10 =	simm.s32 $0x7A1400;
	[sflag:s30] =	ssyncadd.s32 $0xFFFFC000  }
.LBB2_1:
0x4d: {  	s0 =	rddreg [dreg:$0x5]  }
0x4e: {  	[tilespmem:s4], [sflag:$0x3] =	stream.linear.gather [hbm4b:s0+s4], $0x200, $0x38;
	[tilespmem:$0x1CD00] =	vst v63  }
0x4f: {  	_ =	swait.ge [sflag:s12], $0x200  }
0x50: {  	[sflag:s12] =	ssyncset.done $0x0  }
0x51: {  	s3 =	simm.s32 $0x280;
	s9 =	rddreg [dreg:$0x6];
	[sflag:s12] =	ssyncadd.s32 $0xFFFFFE00  }
0x52: {  	[tilespmem:s3], [sflag:$0x3] =	stream.linear.gather [hbm4b:s9+s4], $0x200, $0x38;
	[tilespmem:$0x1CD00] =	vst v63  }
0x53: {  	_ =	swait.ge [sflag:s12], $0x200  }
0x54: {  	[sflag:s12] =	ssyncset.done $0x0  }
0x55: {  	[sflag:s12] =	ssyncadd.s32 $0xFFFFFE00  }
0x56: {  	[tilespmem:s18], [sflag:$0x3] =	stream.linear.gather [hbm4b:s7+s4], $0x200, $0x38;
	[tilespmem:$0x1CD00] =	vst v63  }
0x57: {  	_ =	swait.ge [sflag:s12], $0x200  }
0x58: {  	[sflag:s12] =	ssyncset.done $0x0  }
0x59: {  	s13 =	rddreg [dreg:$0x7];
	[sflag:s12] =	ssyncadd.s32 $0xFFFFFE00  }
0x5a: {  	[tilespmem:s8], [sflag:$0x3] =	stream.linear.gather [hbm4b:s13+s4], $0x200, $0x38;
	[tilespmem:$0x1CD00] =	vst v63  }
0x5b: {  	_ =	swait.ge [sflag:s12], $0x200  }
0x5c: {  	[sflag:s12] =	ssyncset.done $0x0  }
0x5d: {  	[sflag:s12] =	ssyncadd.s32 $0xFFFFFE00  }
0x5e: {  	v8 =	vld [tilespmem:$0x0];
	_ =	sdelay $0x4  }
0x5f: {  	(v2sf) =	vpush v8, $0x0;
	_ =	sdelay $0x1  }
0x60: {  	v8 =	vld [tilespmem:$0x1FF];
	_ =	sdelay $0x4  }
0x61: {  	(v2sf) =	vpush v8, $0x0;
	_ =	sdelay $0x7  }
0x62: {  	s14 =	spop (v2sf)  }
0x63: {  	s15 =	sand.u32 $0x7F, s14  }
0x64: {  	s25 =	sshra.s32 s14, $0x1F;
	p0 =	slt.s32 s14, $0x1;
	p1 =	sne.s32 s15, $0x0  }
0x65: {  	s31 =	sshrl.u32 s25, $0x19;
	p0 =	por !p0, !p1  }
0x66: {  	s3 =	simm.s32 $0x1;
	s0 =	sadd.s32 s31, s14;
	p0 =	por !p0, !p0  }
0x67: {  	s0 =	sshra.s32 s0, $0x7;
	s3 =	simm.s32 @!p0 $0x0  }
0x68: {  	s25 =	ssub.s32 s0, s3  }
0x69: {  	s8 =	spop (v2sf);
	s0 =	sshll.u32 s25, $0x7  }
0x6a: {  	s9 =	simm.s32 $0x1;
	s14 =	ssub.s32 s8, s0;
	p0 =	sne.s32 s8, s0  }
0x6b: {  	s13 =	sshra.s32 s14, $0x1F;
	s9 =	simm.s32 @!p0 $0x0  }
0x6c: {  	s3 =	sand.u32 $0x7F, s8;
	s9 =	sor.u32 s9, s13  }
0x6d: {  	p6 =	sne.s32 s3, $0x0;
	p5 =	sne.s32 s9, $0x1  }
0x6e: {  	s13 =	sshrl.u32 s13, $0x19;
	p0 =	por !p6, !p5  }
0x6f: {  	s8 =	simm.s32 $0x1;
	s15 =	sadd.s32 s13, s14;
	p1 =	por !p0, !p0  }
0x70: {  	s3 =	sshra.s32 s15, $0x7;
	s8 =	simm.s32 @!p1 $0x0  }
0x71: {  	s9 =	smov.u32 s0;
	p0 =	slt.s32 s0, $0xF4200;
	s28 =	ssub.s32 s3, s8  }
0x72: {  	s9 =	simm.s32 @!p0 $0xF4200;
	p0 =	slt.s32 s28, $0x1  }
.Ltmp2:
0x73: {  	_ = 	snop;
	(pc) =	sbr.rel @p0 .LBB2_3-.Ltmp2, $3  }
0x74: {  	_ =	sdelay $0x1  }
0x75: {  	s31 =	sadd.s32 s1, s9  }
0x76: {  	[tilespmem:s19], [sflag:$0x1] =	stream.strided.gather [hbm4b:s31+s17], $0x2000, s10, s17, $0x38;
	[tilespmem:$0x1CD00] =	vst v63  }
0x77: {  	s8 =	sadd.s32 $0x80, s0  }
0x78: {  	p0 =	slt.s32 s8, $0xF4200  }
0x79: {  	s8 =	simm.s32 @!p0 $0xF4200  }
0x7a: {  	s9 =	simm.s32 $0x2900;
	s8 =	sadd.s32 s1, s8  }
0x7b: {  	[tilespmem:s9], [sflag:$0x1] =	stream.strided.gather [hbm4b:s8+s17], $0x2000, s10, s17, $0x38;
	[tilespmem:$0x1CD00] =	vst v63  }
0x7c: {  	s8 =	simm.s32 @!p1 $0x0  }
0x7d: {  	s8 =	simm.s32 @p1 $0x1;
	p1 =	seq.s32 s28, $0x1  }
0x7e: {  	[smem:$0x7FD] =	sst s8;
	s8 =	sadd.s32 @!p1 $0x100, s0  }
0x7f: {  	p2 =	slt.u32 @!p1 s28, $0x3;
	p0 =	slt.s32 @!p1 s8, $0xF4200  }
0x80: {  	s9 =	simm.s32 @!p1 $0x400;
	p4 =	por p2, p1;
	p0 =	por !p0, p1  }
0x81: {  	s13 =	simm.s32 @!p1 $0x7A1400;
	p6 =	seq.s32 @!p4 s28, $0x3;
	s8 =	simm.s32 @p0 $0xF4200  }
0x82: {  	s14 =	simm.s32 @!p1 $0x4900;
	p0 =	por @!p1 p6, p2;
	s8 =	sadd.s32 @!p1 s1, s8  }
0x83: {  	[tilespmem:s14], [sflag:$0x1] =	stream.strided.gather @!p1 [hbm4b:s8+s9], $0x2000, s13, s9, $0x38;
	[tilespmem:$0x1CD00] =	vst v63  }
0x84: {  	p3 =	por p0, p1;
	s8 =	simm.s32 @!p6 $0x0  }
0x85: {  	p0 =	slt.u32 @!p3 s28, $0x5;
	s8 =	simm.s32 @p6 $0x1  }
0x86: {  	p5 =	por @!p4 p0, p6;
	[smem:$0x7FC] =	sst s8;
	s8 =	simm.s32 @!p0 $0x0  }
0x87: {  	s9 =	sadd.s32 @!p3 $0x200, s0;
	s8 =	simm.s32 @p0 $0x1;
	p0 =	por @!p1 p5, p2  }
0x88: {  	p5 =	slt.s32 @!p3 s9, $0xF4200;
	[smem:$0x7FA] =	sst s8;
	s10 =	simm.s32 @!p0 $0x0  }
0x89: {  	s8 =	sadd.s32 @!p4 $0x180, s0;
	p5 =	por @!p4 !p5, p6;
	s10 =	simm.s32 @p0 $0x1  }
0x8a: {  	p0 =	slt.s32 @!p4 s8, $0xF4200;
	[smem:$0x7F6] =	sst s10;
	s10 =	simm.s32 @!p5 $0x0  }
0x8b: {  	p0 =	por @!p1 !p0, p2;
	s10 =	simm.s32 @p5 $0x1  }
0x8c: {  	p0 =	por !p0, p1;
	[smem:$0x7F7] =	sst s10  }
0x8d: {  	s10 =	simm.s32 @!p0 $0x0;
	s14 =	sld [smem:$0x7F7]  }
0x8e: {  	s13 =	sld [smem:$0x7F6];
	s10 =	simm.s32 @p0 $0x1  }
0x8f: {  	[smem:$0x7F8] =	sst s10  }
0x90: {  	s15 =	sld [smem:$0x7F8];
	p0 =	seq.s32 s14, $0x1  }
0x91: {  	p6 =	seq.s32 s13, $0x1;
	p0 =	por @!p1 !p0, p2  }
0x92: {  	p5 =	por p6, p1;
	s10 =	simm.s32 @!p0 $0x0  }
0x93: {  	s0 =	sadd.s32 @!p5 $0x280, s0;
	s10 =	simm.s32 @p0 $0x1;
	p0 =	seq.s32 s15, $0x1  }
0x94: {  	s13 =	sld [smem:$0x7FA];
	s8 =	simm.s32 @!p0 $0xF4200;
	p0 =	slt.s32 @!p5 s0, $0xF4200  }
0x95: {  	[smem:$0x7F9] =	sst s10;
	s10 =	simm.s32 @!p0 $0x0  }
0x96: {  	s31 =	sld [smem:$0x7F9];
	s10 =	simm.s32 @p0 $0x1  }
0x97: {  	[smem:$0x7FB] =	sst s10  }
0x98: {  	s14 =	sld [smem:$0x7FB]  }
0x99: {  	s15 =	simm.s32 @!p4 $0x6900;
	s8 =	sadd.s32 @!p4 s1, s8;
	p6 =	seq.s32 s31, $0x1  }
0x9a: {  	p0 =	seq.s32 s13, $0x1;
	s13 =	simm.s32 @!p4 $0x400;
	p6 =	por !p6, p1  }
0x9b: {  	s9 =	simm.s32 @p6 $0xF4200;
	p6 =	seq.s32 s14, $0x1;
	s14 =	simm.s32 @!p4 $0x7A1400  }
0x9c: {  	[tilespmem:s15], [sflag:$0x1] =	stream.strided.gather @!p4 [hbm4b:s8+s13], $0x2000, s14, s13, $0x38;
	[tilespmem:$0x1CD00] =	vst v63  }
0x9d: {  	s15 =	sld [smem:$0x7FC];
	s8 =	sadd.s32 @!p3 s1, s9  }
0x9e: {  	s9 =	simm.s32 @!p3 $0x400;
	s13 =	simm.s32 @!p3 $0x7A1400;
	s14 =	simm.s32 @!p3 $0x8900  }
0x9f: {  	[tilespmem:s14], [sflag:$0x1] =	stream.strided.gather @!p3 [hbm4b:s8+s9], $0x2000, s13, s9, $0x38;
	[tilespmem:$0x1CD00] =	vst v63  }
0xa0: {  	p0 =	por @!p3 !p6, p0;
	p6 =	seq.s32 s15, $0x1  }
0xa1: {  	p0 =	por @!p4 !p0, p6  }
0xa2: {  	s31 =	sld [smem:$0x7FD];
	p0 =	por @!p1 !p0, p2  }
0xa3: {  	p0 =	por !p0, p1  }
0xa4: {  	s8 =	simm.s32 @!p5 $0x400;
	s9 =	simm.s32 @!p5 $0x7A1400;
	s0 =	simm.s32 @!p0 $0xF4200  }
0xa5: {  	s13 =	simm.s32 @!p5 $0xA900;
	p1 =	seq.s32 s31, $0x1;
	s0 =	sadd.s32 @!p5 s1, s0  }
0xa6: {  	[tilespmem:s13], [sflag:$0x1] =	stream.strided.gather @!p5 [hbm4b:s0+s8], $0x2000, s9, s8, $0x38;
	[tilespmem:$0x1CD00] =	vst v63  }
.LBB2_3:
0xa7: {  	p0 =	slt.s32 s28, $0xFFFFFE01  }
.Ltmp3:
0xa8: {  	_ = 	snop;
	(pc) =	sbr.rel @p0 .LBB2_9-.Ltmp3, $4  }
0xa9: {  	_ = 	snop  }
0xaa: {  	_ =	swait.ge [sflag:s16], $0x2000  }
0xab: {  	[sflag:s16] =	ssyncset.done $0x0  }
0xac: {  	[sflag:s16] =	ssyncadd.s32 $0xFFFFE000  }
0xad: {  	s0 =	simm.s32 $0x0  }
0xae: {  	s9 =	simm.s32 $0x0;
	s8 =	smulhi.u32 $0x2AAAAAAB, s0  }
0xaf: {  	s13 =	simm.s32 $0xFFFFFFFF;
	s9 =	smul.u32 $0x2AAAAAAB, s9  }
0xb0: {  	s13 =	simm.s32 @!p1 $0x0  }
0xb1: {  	s3 =	sadd.s32 s13, s3;
	s8 =	sadd.s32 s9, s8  }
0xb2: {  	s3 =	sadd.s32 $0x200, s3;
	s9 =	sshrl.u32 s8, $0x1F  }
0xb3: {  	s3 =	sadd.s32 $0xFFFFFFFF, s3;
	s8 =	sadd.s32 s9, s8  }
0xb4: {  	p0 =	sne.s32 s3, $0x0;
	s8 =	smul.u32 $0x6, s8  }
.Ltmp4:
0xb5: {  	_ = 	snop;
	(pc) =	sbr.rel @!p0 .LBB2_5-.Ltmp4, $4  }
0xb6: {  	s20 =	sadd.s32 $0x0, s25  }
0xb7: {  	s31 =	simm.s32 $0x1;
	s20 =	sshll.u32 s20, $0x7;
	s8 =	ssub.s32 $0x0, s8  }
0xb8: {  	p4 =	por $0x1, $0x1;
	p1 =	slt.s32 s20, $0xF4200;
	s8 =	sshll.u32 s8, $0xF  }
0xb9: {  	s20 =	simm.s32 @!p1 $0xF4200;
	p1 =	por $0x0, $0x0;
	s18 =	sshra.s32 s8, $0x2  }
0xba: {  	s8 =	simm.s32 $0x0  }
0xbb: {  	s8 =	simm.s32 @!p4 $0x1FF  }
0xbc: {  	v8 =	vld [tilespmem:s8+$0x0];
	_ =	sdelay $0x4  }
0xbd: {  	(v2sf) =	vpush v8, $0x0;
	_ =	sdelay $0xe  }
0xbe: {  	s19 =	spop (v2sf)  }
0xbf: {  	s9 =	ssub.s32 s19, s20  }
0xc0: {  	p0 =	sgt.s32 s9, $0x0  }
0xc1: {  	s9 =	simm.s32 @!p0 $0x0  }
0xc2: {  	s13 =	sadd.s32 $0x80, s20;
	s9 =	smin.u32 s9, $0x7F  }
0xc3: {  	p6 =	por $0x1, $0x1;
	p1 =	slt.s32 s19, s13;
	v8 =	vor.u32 s9, v1  }
0xc4: {  	p0 =	por !p6, !p1  }
0xc5: {  	p1 =	por !p0, !p0  }
0xc6: {  	s0 =	simm.s32 @!p1 $0x200  }
0xc7: {  	s14 =	sor.u32 $0x900, s18;
	s8 =	sshll.u32 s0, $0x7  }
0xc8: {  	v9 =	vor.u32 s8, v0;
	v8 =	vld.idx.msk [tilespmem:v8+s14+$0x0], $0xffff  }
0xc9: {  	v10 =	vor.u32 s9, v2;
	_ =	sdelay $0x3  }
0xca: {  	[tilespmem:v9+s21+$0x0] =	vst.idx.msk $0xffff, v8  }
0xcb: {  	p2 =	sge.s32 s28, $0x1;
	v59 =	vor.u32 s8, v3;
	v8 =	vld.idx.msk [tilespmem:v10+s14+$0x0], $0xffff  }
0xcc: {  	p0 =	por !p2, !p0;
	v60 =	vor.u32 s9, v4  }
0xcd: {  	p0 =	por !p0, !p0;
	s0 =	simm.s32 $0x1  }
0xce: {  	s0 =	simm.s32 @!p0 $0x0  }
0xcf: {  	s13 =	sadd.s32 $0xFFFFFFFF, s3;
	s3 =	sadd.s32 $0x0, s0  }
0xd0: {  	p2 =	sne.s32 s13, $0x0;
	s0 =	simm.s32 $0x1;
	s10 =	smulhi.u32 $0x2AAAAAAB, s3;
	[tilespmem:v59+s21+$0x0] =	vst.idx.msk $0xffff, v8  }
0xd1: {  	v61 =	vor.u32 s8, v5;
	s19 =	sshra.s32 s3, $0x1F;
	s0 =	simm.s32 @!p1 $0x0;
	p1 =	slt.s32 @p0 s28, $0x6;
	v8 =	vld.idx.msk [tilespmem:v60+s14+$0x0], $0xffff  }
0xd2: {  	v62 =	vor.u32 s9, v6;
	s15 =	simm.s32 @p0 $0x6;
	s19 =	smul.u32 $0x2AAAAAAB, s19;
	p3 =	por p1, !p0  }
0xd3: {  	s20 =	sadd.s32 s25, s3;
	s0 =	sadd.s32 $0x0, s0;
	s15 =	smulhi.u32 @!p3 $0x2AAAAAAB, s15  }
0xd4: {  	s18 =	sadd.s32 s19, s10;
	s19 =	simm.s32 @!p3 $0x0;
	s10 =	sadd.s32 @!p3 $0x6, s25  }
0xd5: {  	s31 =	sshrl.u32 s18, $0x1F;
	s19 =	smul.u32 @!p3 $0x2AAAAAAB, s19;
	s10 =	sshll.u32 @!p3 s10, $0x7  }
0xd6: {  	s20 =	sshll.u32 s20, $0x7;
	s18 =	sadd.s32 s31, s18;
	p4 =	slt.s32 @!p3 s10, $0xF4200;
	[tilespmem:v61+s21+$0x0] =	vst.idx.msk $0xffff, v8  }
0xd7: {  	s31 =	sadd.s32 $0x1, s3;
	s9 =	smul.u32 $0x6, s18;
	v8 =	vld.idx.msk [tilespmem:v62+s14+$0x0], $0xffff;
	s14 =	sadd.s32 @!p3 s19, s15  }
0xd8: {  	v63 =	vor.u32 s8, v7;
	p1 =	por @p0 !p4, p1;
	p4 =	slt.s32 s20, $0xF4200;
	s8 =	sshrl.u32 @!p3 s14, $0x1F  }
0xd9: {  	p1 =	por !p1, !p0;
	s20 =	simm.s32 @!p4 $0xF4200;
	s8 =	sadd.s32 @!p3 s8, s14  }
0xda: {  	p4 =	slt.s32 s0, $0x1FF;
	s9 =	ssub.s32 s3, s9;
	s8 =	smul.u32 @!p3 $0x6, s8  }
.Ltmp5:
0xdb: {  	s10 =	simm.s32 @!p1 $0xF4200;
	s9 =	sshll.u32 s9, $0xF;
	(pc) =	sbr.rel @!p2 .LBB2_8-.Ltmp5, $4  }
0xdc: {  	p1 =	por $0x1, $0x1;
	s18 =	sshra.s32 s9, $0x2;
	s8 =	ssub.s32 @!p3 $0x6, s8  }
0xdd: {  	s15 =	sadd.s32 @!p3 s1, s10;
	s14 =	simm.s32 @p0 $0x1;
	[tilespmem:v63+s21+$0x0] =	vst.idx.msk $0xffff, v8;
	s8 =	sshll.u32 @!p3 s8, $0xF  }
0xde: {  	s19 =	simm.s32 @!p3 $0x7A1400;
	_ =	swait.ge @p0 [sflag:s14], $0x2000;
	s9 =	sshra.s32 @!p3 s8, $0x2  }
0xdf: {  	s8 =	simm.s32 @!p3 $0x400;
	[sflag:s14] =	ssyncset.done @p0 $0x0;
	s9 =	sor.u32 @!p3 $0x900, s9  }
.LBB2_7:
0xe0: {  	s10 =	smov.u32 s0  }
0xe1: {  	s13 =	sadd.s32 $0xFFFFFFFF, s13;
	[sflag:s14] =	ssyncadd.s32 @p0 $0xFFFFE000;
	s10 =	simm.s32 @!p4 $0x1FF  }
0xe2: {  	[tilespmem:s9], [sflag:$0x1] =	stream.strided.gather @!p3 [hbm4b:s15+s8], $0x2000, s19, s8, $0x38;
	[tilespmem:$0x1CD00] =	vst v63  }
0xe3: {  	p2 =	sne.s32 s13, $0x0;
	v8 =	vld [tilespmem:s10+$0x0];
	_ =	sdelay $0x4  }
0xe4: {  	(v2sf) =	vpush v8, $0x0;
	_ =	sdelay $0xe  }
0xe5: {  	s8 =	sadd.s32 $0x80, s20;
	s9 =	spop (v2sf)  }
0xe6: {  	p0 =	slt.s32 s0, $0x200;
	p3 =	slt.s32 s9, s8  }
0xe7: {  	s8 =	ssub.s32 s9, s20;
	p0 =	por !p0, !p3  }
0xe8: {  	s9 =	smov.u32 s0;
	p3 =	sgt.s32 s8, $0x0;
	p5 =	por !p0, !p0  }
0xe9: {  	p4 =	sle.s32 s31, s28;
	s8 =	simm.s32 @!p3 $0x0;
	s9 =	simm.s32 @!p5 $0x200  }
0xea: {  	p0 =	por !p4, !p0;
	s15 =	sshll.u32 s9, $0x7;
	s9 =	simm.s32 $0x1  }
0xeb: {  	s8 =	smin.u32 s8, $0x7F;
	p0 =	por !p0, !p0;
	s9 =	simm.s32 @!p5 $0x0  }
0xec: {  	v8 =	vor.u32 s8, v1;
	s14 =	sadd.s32 @p0 $0x6, s3;
	s0 =	sadd.s32 s9, s0;
	s9 =	simm.s32 $0x1  }
0xed: {  	p4 =	sgt.s32 @p0 s14, s28;
	s9 =	simm.s32 @!p0 $0x0  }
0xee: {  	s3 =	sadd.s32 s9, s3  }
0xef: {  	s9 =	sadd.s32 s25, s3;
	s10 =	smulhi.u32 $0x2AAAAAAB, s3;
	s19 =	sshra.s32 s3, $0x1F  }
0xf0: {  	s20 =	sshll.u32 s9, $0x7;
	s9 =	smul.u32 $0x2AAAAAAB, s19;
	s19 =	sor.u32 $0x900, s18  }
0xf1: {  	s31 =	sadd.s32 $0x1, s3;
	p3 =	slt.s32 s20, $0xF4200;
	v8 =	vld.idx.msk [tilespmem:v8+s19+$0x0], $0xffff  }
0xf2: {  	v9 =	vor.u32 s15, v0;
	s20 =	simm.s32 @!p3 $0xF4200;
	s9 =	sadd.s32 s9, s10  }
0xf3: {  	v10 =	vor.u32 s8, v2;
	s10 =	sshrl.u32 s9, $0x1F  }
0xf4: {  	s9 =	sadd.s32 s10, s9  }
0xf5: {  	s9 =	smul.u32 $0x6, s9;
	_ =	sdelay $0x1  }
0xf6: {  	s9 =	ssub.s32 s3, s9;
	[tilespmem:v9+s21+$0x0] =	vst.idx.msk $0xffff, v8  }
0xf7: {  	s9 =	sshll.u32 s9, $0xF;
	v8 =	vld.idx.msk [tilespmem:v10+s19+$0x0], $0xffff  }
0xf8: {  	v9 =	vor.u32 s15, v3;
	s18 =	sshra.s32 s9, $0x2  }
0xf9: {  	v10 =	vor.u32 s8, v4;
	_ =	sdelay $0x3  }
0xfa: {  	[tilespmem:v9+s21+$0x0] =	vst.idx.msk $0xffff, v8  }
0xfb: {  	v8 =	vld.idx.msk [tilespmem:v10+s19+$0x0], $0xffff  }
0xfc: {  	v9 =	vor.u32 s15, v5  }
0xfd: {  	v10 =	vor.u32 s8, v6  }
0xfe: {  	p3 =	por p4, !p0  }
0xff: {  	s10 =	sadd.s32 @!p3 s25, s14;
	s9 =	sshra.s32 @!p3 s14, $0x1F;
	s8 =	smulhi.u32 @!p3 $0x2AAAAAAB, s14  }
0x100: {  	s10 =	sshll.u32 @!p3 s10, $0x7;
	s9 =	smul.u32 @!p3 $0x2AAAAAAB, s9  }
0x101: {  	p5 =	slt.s32 @!p3 s10, $0xF4200;
	[tilespmem:v9+s21+$0x0] =	vst.idx.msk $0xffff, v8  }
0x102: {  	p4 =	por @p0 !p5, p4;
	s8 =	sadd.s32 @!p3 s9, s8;
	v8 =	vld.idx.msk [tilespmem:v10+s19+$0x0], $0xffff  }
0x103: {  	p4 =	por !p4, !p0;
	s9 =	sshrl.u32 @!p3 s8, $0x1F;
	v9 =	vor.u32 s15, v7  }
0x104: {  	s10 =	simm.s32 @!p4 $0xF4200;
	s8 =	sadd.s32 @!p3 s9, s8  }
0x105: {  	s8 =	smul.u32 @!p3 $0x6, s8;
	s15 =	sadd.s32 @!p3 s1, s10  }
.Ltmp6:
0x106: {  	(pc) =	sbr.rel @p2 .LBB2_7-.Ltmp6, $4  }
0x107: {  	s8 =	ssub.s32 @!p3 s14, s8  }
0x108: {  	s14 =	simm.s32 @p0 $0x1;
	s19 =	simm.s32 @!p3 $0x7A1400;
	s8 =	sshll.u32 @!p3 s8, $0xF;
	[tilespmem:v9+s21+$0x0] =	vst.idx.msk $0xffff, v8  }
0x109: {  	s9 =	sshra.s32 @!p3 s8, $0x2;
	s8 =	simm.s32 @!p3 $0x400;
	_ =	swait.ge @p0 [sflag:s14], $0x2000  }
0x10a: {  	p4 =	slt.s32 s0, $0x1FF;
	s9 =	sor.u32 @!p3 $0x900, s9;
	[sflag:s14] =	ssyncset.done @p0 $0x0  }
.LBB2_8:
0x10b: {  	s10 =	smov.u32 s0;
	p0 =	por !p0, !p1  }
0x10c: {  	s10 =	simm.s32 @!p4 $0x1FF;
	[sflag:s14] =	ssyncadd.s32 @!p0 $0xFFFFE000;
	p0 =	por p3, !p1  }
0x10d: {  	[tilespmem:s9], [sflag:$0x1] =	stream.strided.gather @!p0 [hbm4b:s15+s8], $0x2000, s19, s8, $0x38;
	[tilespmem:$0x1CD00] =	vst v63  }
0x10e: {  	v8 =	vld [tilespmem:s10+$0x0];
	_ =	sdelay $0x4  }
0x10f: {  	(v2sf) =	vpush v8, $0x0;
	_ =	sdelay $0xe  }
0x110: {  	s15 =	spop (v2sf)  }
0x111: {  	s9 =	ssub.s32 s15, s20  }
0x112: {  	p0 =	sgt.s32 s9, $0x0  }
0x113: {  	s9 =	simm.s32 @!p0 $0x0  }
0x114: {  	s19 =	sadd.s32 $0x80, s20;
	s9 =	smin.u32 s9, $0x7F  }
0x115: {  	p4 =	slt.s32 s0, $0x200;
	p5 =	slt.s32 s15, s19;
	v8 =	vor.u32 s9, v1  }
0x116: {  	p0 =	por !p4, !p5  }
0x117: {  	p1 =	por !p0, !p0  }
0x118: {  	s0 =	simm.s32 @!p1 $0x200  }
0x119: {  	s20 =	sor.u32 $0x900, s18;
	s0 =	sshll.u32 s0, $0x7  }
0x11a: {  	v9 =	vor.u32 s0, v0;
	v8 =	vld.idx.msk [tilespmem:v8+s20+$0x0], $0xffff  }
0x11b: {  	v10 =	vor.u32 s9, v2;
	_ =	sdelay $0x3  }
0x11c: {  	[tilespmem:v9+s21+$0x0] =	vst.idx.msk $0xffff, v8  }
0x11d: {  	v59 =	vor.u32 s0, v3;
	v8 =	vld.idx.msk [tilespmem:v10+s20+$0x0], $0xffff  }
0x11e: {  	v60 =	vor.u32 s9, v4;
	_ =	sdelay $0x1  }
0x11f: {  	p6 =	sle.s32 s31, s28  }
0x120: {  	p0 =	por !p6, !p0  }
0x121: {  	p0 =	por !p0, !p0;
	[tilespmem:v59+s21+$0x0] =	vst.idx.msk $0xffff, v8  }
0x122: {  	s3 =	sadd.s32 @p0 $0x6, s3;
	v61 =	vor.u32 s0, v5;
	v8 =	vld.idx.msk [tilespmem:v60+s20+$0x0], $0xffff  }
0x123: {  	v62 =	vor.u32 s9, v6;
	p2 =	sgt.s32 @p0 s3, s28  }
0x124: {  	p1 =	por p2, !p0  }
0x125: {  	s9 =	smulhi.u32 @!p1 $0x2AAAAAAB, s3;
	s10 =	sshra.s32 @!p1 s3, $0x1F  }
0x126: {  	s10 =	smul.u32 @!p1 $0x2AAAAAAB, s10  }
0x127: {  	[tilespmem:v61+s21+$0x0] =	vst.idx.msk $0xffff, v8  }
0x128: {  	v63 =	vor.u32 s0, v7;
	s13 =	sadd.s32 @!p1 s25, s3;
	s8 =	sadd.s32 @!p1 s10, s9;
	v8 =	vld.idx.msk [tilespmem:v62+s20+$0x0], $0xffff  }
0x129: {  	s0 =	sshll.u32 @!p1 s13, $0x7;
	s9 =	sshrl.u32 @!p1 s8, $0x1F  }
0x12a: {  	p3 =	slt.s32 @!p1 s0, $0xF4200;
	s8 =	sadd.s32 @!p1 s9, s8  }
0x12b: {  	s18 =	simm.s32 $0x500;
	p2 =	por @p0 !p3, p2;
	s8 =	smul.u32 @!p1 $0x6, s8  }
0x12c: {  	s19 =	simm.s32 $0x900;
	s10 =	simm.s32 @!p1 $0x400;
	p2 =	por !p2, !p0  }
0x12d: {  	s0 =	simm.s32 @!p2 $0xF4200;
	s3 =	ssub.s32 @!p1 s3, s8;
	s8 =	simm.s32 @p0 $0x1;
	[tilespmem:v63+s21+$0x0] =	vst.idx.msk $0xffff, v8  }
0x12e: {  	s9 =	simm.s32 @!p1 $0x7A1400;
	s3 =	sshll.u32 @!p1 s3, $0xF;
	_ =	swait.ge @p0 [sflag:s8], $0x2000  }
0x12f: {  	s0 =	sadd.s32 @!p1 s1, s0;
	s3 =	sshra.s32 @!p1 s3, $0x2;
	[sflag:s8] =	ssyncset.done @p0 $0x0  }
0x130: {  	s3 =	sor.u32 @!p1 $0x900, s3;
	s20 =	simm.s32 $0xC3800;
	[sflag:s8] =	ssyncadd.s32 @p0 $0xFFFFE000  }
0x131: {  	[tilespmem:s3], [sflag:$0x1] =	stream.strided.gather @!p1 [hbm4b:s0+s10], $0x2000, s9, s10, $0x38;
	[tilespmem:$0x1CD00] =	vst v63  }
.LBB2_9:
0x132: {  	[hbm4b:s5+s22] =	stream.indirect.scatter [tilespmem:s21], [sflag:$0x2], $0x80, s18, s22, $0xb8;
	[tilespmem:$0x1CD00] =	vst v63  }
0x133: {  	s0 =	simm.s32 $0x580  }
0x134: {  	[hbm4b:s5+s22] =	stream.indirect.scatter [tilespmem:s24], [sflag:$0x2], $0x80, s0, s22, $0xb8;
	[tilespmem:$0x1CD00] =	vst v63  }
0x135: {  	s3 =	simm.s32 $0x600  }
0x136: {  	[hbm4b:s5+s22] =	stream.indirect.scatter [tilespmem:s26], [sflag:$0x2], $0x80, s3, s22, $0xb8;
	[tilespmem:$0x1CD00] =	vst v63  }
0x137: {  	s8 =	simm.s32 $0x680  }
0x138: {  	[hbm4b:s5+s22] =	stream.indirect.scatter [tilespmem:s29], [sflag:$0x2], $0x80, s8, s22, $0xb8;
	[tilespmem:$0x1CD00] =	vst v63  }
0x139: {  	_ =	swait.ge [sflag:s30], $0x4000  }
0x13a: {  	[sflag:s30] =	ssyncset.done $0x0  }
0x13b: {  	[sflag:s30] =	ssyncadd.s32 $0xFFFFC000  }
0x13c: {  	_ =	swait.ge [sflag:s30], $0x4000  }
0x13d: {  	[sflag:s30] =	ssyncset.done $0x0  }
0x13e: {  	[sflag:s30] =	ssyncadd.s32 $0xFFFFC000  }
0x13f: {  	_ =	swait.ge [sflag:s30], $0x4000  }
0x140: {  	[sflag:s30] =	ssyncset.done $0x0  }
0x141: {  	[sflag:s30] =	ssyncadd.s32 $0xFFFFC000  }
0x142: {  	_ =	swait.ge [sflag:s30], $0x4000  }
0x143: {  	[sflag:s30] =	ssyncset.done $0x0  }
0x144: {  	[sflag:s30] =	ssyncadd.s32 $0xFFFFC000  }
0x145: {  	v8 =	vld [tilespmem:$0x280];
	_ =	sdelay $0x4  }
0x146: {  	(v2sf) =	vpush v8, $0x0;
	_ =	sdelay $0x1  }
0x147: {  	v8 =	vld [tilespmem:$0x47F];
	_ =	sdelay $0x4  }
0x148: {  	(v2sf) =	vpush v8, $0x0;
	_ =	sdelay $0x7  }
0x149: {  	s9 =	spop (v2sf)  }
0x14a: {  	s3 =	sand.u32 $0x7F, s9  }
0x14b: {  	s8 =	sshra.s32 s9, $0x1F;
	p0 =	slt.s32 s9, $0x1;
	p1 =	sne.s32 s3, $0x0  }
0x14c: {  	s10 =	sshrl.u32 s8, $0x19;
	p0 =	por !p0, !p1  }
0x14d: {  	s3 =	simm.s32 $0x1;
	s0 =	sadd.s32 s10, s9;
	p0 =	por !p0, !p0  }
0x14e: {  	s0 =	sshra.s32 s0, $0x7;
	s3 =	simm.s32 @!p0 $0x0  }
0x14f: {  	s25 =	ssub.s32 s0, s3  }
0x150: {  	s13 =	spop (v2sf);
	s0 =	sshll.u32 s25, $0x7  }
0x151: {  	s9 =	simm.s32 $0x1;
	s14 =	ssub.s32 s13, s0;
	p0 =	sne.s32 s13, s0  }
0x152: {  	s10 =	sshra.s32 s14, $0x1F;
	s9 =	simm.s32 @!p0 $0x0  }
0x153: {  	s3 =	sand.u32 $0x7F, s13;
	s9 =	sor.u32 s9, s10  }
0x154: {  	p6 =	sne.s32 s3, $0x0;
	p5 =	sne.s32 s9, $0x1  }
0x155: {  	s10 =	sshrl.u32 s10, $0x19;
	p0 =	por !p6, !p5  }
0x156: {  	s8 =	simm.s32 $0x1;
	s15 =	sadd.s32 s10, s14;
	p1 =	por !p0, !p0  }
0x157: {  	s3 =	sshra.s32 s15, $0x7;
	s8 =	simm.s32 @!p1 $0x0  }
0x158: {  	s9 =	smov.u32 s0;
	p0 =	slt.s32 s0, $0x18680;
	s28 =	ssub.s32 s3, s8  }
0x159: {  	s9 =	simm.s32 @!p0 $0x18680;
	p0 =	slt.s32 s28, $0x1  }
.Ltmp7:
0x15a: {  	_ = 	snop;
	(pc) =	sbr.rel @p0 .LBB2_11-.Ltmp7, $3  }
0x15b: {  	_ =	sdelay $0x1  }
0x15c: {  	s31 =	sadd.s32 s2, s9  }
0x15d: {  	[tilespmem:s19], [sflag:$0x1] =	stream.strided.gather [hbm4b:s31+s17], $0x2000, s20, s17, $0x38;
	[tilespmem:$0x1CD00] =	vst v63  }
0x15e: {  	s8 =	sadd.s32 $0x80, s0  }
0x15f: {  	p0 =	slt.s32 s8, $0x18680  }
0x160: {  	s8 =	simm.s32 @!p0 $0x18680  }
0x161: {  	s9 =	simm.s32 $0x2900;
	s8 =	sadd.s32 s2, s8  }
0x162: {  	[tilespmem:s9], [sflag:$0x1] =	stream.strided.gather [hbm4b:s8+s17], $0x2000, s20, s17, $0x38;
	[tilespmem:$0x1CD00] =	vst v63  }
0x163: {  	s8 =	simm.s32 @!p1 $0x0  }
0x164: {  	s8 =	simm.s32 @p1 $0x1;
	p1 =	seq.s32 s28, $0x1  }
0x165: {  	[smem:$0x7F5] =	sst s8;
	s8 =	sadd.s32 @!p1 $0x100, s0  }
0x166: {  	p2 =	slt.u32 @!p1 s28, $0x3;
	p0 =	slt.s32 @!p1 s8, $0x18680  }
0x167: {  	s9 =	simm.s32 @!p1 $0x400;
	p4 =	por p2, p1;
	p0 =	por !p0, p1  }
0x168: {  	s10 =	simm.s32 @!p1 $0xC3800;
	p6 =	seq.s32 @!p4 s28, $0x3;
	s8 =	simm.s32 @p0 $0x18680  }
0x169: {  	s13 =	simm.s32 @!p1 $0x4900;
	p0 =	por @!p1 p6, p2;
	s8 =	sadd.s32 @!p1 s2, s8  }
0x16a: {  	[tilespmem:s13], [sflag:$0x1] =	stream.strided.gather @!p1 [hbm4b:s8+s9], $0x2000, s10, s9, $0x38;
	[tilespmem:$0x1CD00] =	vst v63  }
0x16b: {  	p3 =	por p0, p1;
	s8 =	simm.s32 @!p6 $0x0  }
0x16c: {  	p0 =	slt.u32 @!p3 s28, $0x5;
	s8 =	simm.s32 @p6 $0x1  }
0x16d: {  	p5 =	por @!p4 p0, p6;
	[smem:$0x7F4] =	sst s8;
	s8 =	simm.s32 @!p0 $0x0  }
0x16e: {  	s9 =	sadd.s32 @!p3 $0x200, s0;
	s8 =	simm.s32 @p0 $0x1;
	p0 =	por @!p1 p5, p2  }
0x16f: {  	p5 =	slt.s32 @!p3 s9, $0x18680;
	[smem:$0x7F2] =	sst s8;
	s10 =	simm.s32 @!p0 $0x0  }
0x170: {  	s8 =	sadd.s32 @!p4 $0x180, s0;
	p5 =	por @!p4 !p5, p6;
	s10 =	simm.s32 @p0 $0x1  }
0x171: {  	p0 =	slt.s32 @!p4 s8, $0x18680;
	[smem:$0x7EE] =	sst s10;
	s10 =	simm.s32 @!p5 $0x0  }
0x172: {  	p0 =	por @!p1 !p0, p2;
	s10 =	simm.s32 @p5 $0x1  }
0x173: {  	p0 =	por !p0, p1;
	[smem:$0x7EF] =	sst s10  }
0x174: {  	s10 =	simm.s32 @!p0 $0x0;
	s14 =	sld [smem:$0x7EF]  }
0x175: {  	s13 =	sld [smem:$0x7EE];
	s10 =	simm.s32 @p0 $0x1  }
0x176: {  	[smem:$0x7F0] =	sst s10  }
0x177: {  	s15 =	sld [smem:$0x7F0];
	p0 =	seq.s32 s14, $0x1  }
0x178: {  	p6 =	seq.s32 s13, $0x1;
	p0 =	por @!p1 !p0, p2  }
0x179: {  	p5 =	por p6, p1;
	s10 =	simm.s32 @!p0 $0x0  }
0x17a: {  	s0 =	sadd.s32 @!p5 $0x280, s0;
	s10 =	simm.s32 @p0 $0x1;
	p0 =	seq.s32 s15, $0x1  }
0x17b: {  	s13 =	sld [smem:$0x7F2];
	s8 =	simm.s32 @!p0 $0x18680;
	p0 =	slt.s32 @!p5 s0, $0x18680  }
0x17c: {  	[smem:$0x7F1] =	sst s10;
	s10 =	simm.s32 @!p0 $0x0  }
0x17d: {  	s31 =	sld [smem:$0x7F1];
	s10 =	simm.s32 @p0 $0x1  }
0x17e: {  	[smem:$0x7F3] =	sst s10  }
0x17f: {  	s14 =	sld [smem:$0x7F3]  }
0x180: {  	s15 =	sld [smem:$0x7F4];
	p6 =	seq.s32 s31, $0x1  }
0x181: {  	s8 =	sadd.s32 @!p4 s2, s8;
	p0 =	seq.s32 s13, $0x1;
	p6 =	por !p6, p1  }
0x182: {  	s13 =	simm.s32 @!p4 $0xC3800;
	s9 =	simm.s32 @p6 $0x18680;
	p6 =	seq.s32 s14, $0x1  }
0x183: {  	s10 =	simm.s32 @!p4 $0x400;
	s14 =	simm.s32 @!p4 $0x6900;
	p0 =	por @!p3 !p6, p0  }
0x184: {  	[tilespmem:s14], [sflag:$0x1] =	stream.strided.gather @!p4 [hbm4b:s8+s10], $0x2000, s13, s10, $0x38;
	[tilespmem:$0x1CD00] =	vst v63  }
0x185: {  	p6 =	seq.s32 s15, $0x1;
	s8 =	sadd.s32 @!p3 s2, s9;
	s9 =	simm.s32 @!p3 $0x400  }
0x186: {  	s10 =	simm.s32 @!p3 $0xC3800;
	s13 =	simm.s32 @!p3 $0x8900;
	p0 =	por @!p4 !p0, p6  }
0x187: {  	[tilespmem:s13], [sflag:$0x1] =	stream.strided.gather @!p3 [hbm4b:s8+s9], $0x2000, s10, s9, $0x38;
	[tilespmem:$0x1CD00] =	vst v63  }
0x188: {  	s31 =	sld [smem:$0x7F5];
	p0 =	por @!p1 !p0, p2  }
0x189: {  	p0 =	por !p0, p1  }
0x18a: {  	s8 =	simm.s32 @!p5 $0x400;
	s9 =	simm.s32 @!p5 $0xC3800;
	s0 =	simm.s32 @!p0 $0x18680  }
0x18b: {  	s10 =	simm.s32 @!p5 $0xA900;
	p1 =	seq.s32 s31, $0x1;
	s0 =	sadd.s32 @!p5 s2, s0  }
0x18c: {  	[tilespmem:s10], [sflag:$0x1] =	stream.strided.gather @!p5 [hbm4b:s0+s8], $0x2000, s9, s8, $0x38;
	[tilespmem:$0x1CD00] =	vst v63  }
.LBB2_11:
0x18d: {  	p0 =	slt.s32 s28, $0xFFFFFE01  }
.Ltmp8:
0x18e: {  	_ = 	snop;
	(pc) =	sbr.rel @p0 .LBB2_17-.Ltmp8, $4  }
0x18f: {  	_ = 	snop  }
0x190: {  	_ =	swait.ge [sflag:s16], $0x2000  }
0x191: {  	[sflag:s16] =	ssyncset.done $0x0  }
0x192: {  	[sflag:s16] =	ssyncadd.s32 $0xFFFFE000  }
0x193: {  	s0 =	simm.s32 $0x0  }
0x194: {  	s9 =	simm.s32 $0x0;
	s8 =	smulhi.u32 $0x2AAAAAAB, s0  }
0x195: {  	s10 =	simm.s32 $0xFFFFFFFF;
	s9 =	smul.u32 $0x2AAAAAAB, s9  }
0x196: {  	s10 =	simm.s32 @!p1 $0x0  }
0x197: {  	s3 =	sadd.s32 s10, s3;
	s8 =	sadd.s32 s9, s8  }
0x198: {  	s3 =	sadd.s32 $0x200, s3;
	s9 =	sshrl.u32 s8, $0x1F  }
0x199: {  	s3 =	sadd.s32 $0xFFFFFFFF, s3;
	s8 =	sadd.s32 s9, s8  }
0x19a: {  	p0 =	sne.s32 s3, $0x0;
	s8 =	smul.u32 $0x6, s8  }
.Ltmp9:
0x19b: {  	_ = 	snop;
	(pc) =	sbr.rel @!p0 .LBB2_13-.Ltmp9, $4  }
0x19c: {  	s20 =	sadd.s32 $0x0, s25  }
0x19d: {  	s31 =	simm.s32 $0x1;
	s18 =	sshll.u32 s20, $0x7;
	s8 =	ssub.s32 $0x0, s8  }
0x19e: {  	p4 =	por $0x1, $0x1;
	p1 =	slt.s32 s18, $0x18680;
	s8 =	sshll.u32 s8, $0xF  }
0x19f: {  	s18 =	simm.s32 @!p1 $0x18680;
	p1 =	por $0x0, $0x0;
	s20 =	sshra.s32 s8, $0x2  }
0x1a0: {  	s8 =	simm.s32 $0x0  }
0x1a1: {  	s8 =	simm.s32 @!p4 $0x1FF  }
0x1a2: {  	v8 =	vld [tilespmem:s8+$0x280];
	_ =	sdelay $0x4  }
0x1a3: {  	(v2sf) =	vpush v8, $0x0;
	_ =	sdelay $0xe  }
0x1a4: {  	s19 =	spop (v2sf)  }
0x1a5: {  	s9 =	ssub.s32 s19, s18  }
0x1a6: {  	p0 =	sgt.s32 s9, $0x0  }
0x1a7: {  	s9 =	simm.s32 @!p0 $0x0  }
0x1a8: {  	s10 =	sadd.s32 $0x80, s18;
	s9 =	smin.u32 s9, $0x7F  }
0x1a9: {  	p6 =	por $0x1, $0x1;
	p1 =	slt.s32 s19, s10;
	v8 =	vor.u32 s9, v1  }
0x1aa: {  	p0 =	por !p6, !p1  }
0x1ab: {  	p1 =	por !p0, !p0  }
0x1ac: {  	s0 =	simm.s32 @!p1 $0x200  }
0x1ad: {  	s10 =	sor.u32 $0x900, s20;
	s8 =	sshll.u32 s0, $0x7  }
0x1ae: {  	v9 =	vor.u32 s8, v0;
	v8 =	vld.idx.msk [tilespmem:v8+s10+$0x0], $0xffff  }
0x1af: {  	v10 =	vor.u32 s9, v2;
	_ =	sdelay $0x3  }
0x1b0: {  	[tilespmem:v9+s21+$0x0] =	vst.idx.msk $0xffff, v8  }
0x1b1: {  	p2 =	sge.s32 s28, $0x1;
	v59 =	vor.u32 s8, v3;
	v8 =	vld.idx.msk [tilespmem:v10+s10+$0x0], $0xffff  }
0x1b2: {  	p0 =	por !p2, !p0;
	v60 =	vor.u32 s9, v4  }
0x1b3: {  	p0 =	por !p0, !p0;
	s0 =	simm.s32 $0x1  }
0x1b4: {  	s0 =	simm.s32 @!p0 $0x0  }
0x1b5: {  	s13 =	sadd.s32 $0xFFFFFFFF, s3;
	s3 =	sadd.s32 $0x0, s0  }
0x1b6: {  	p2 =	sne.s32 s13, $0x0;
	s15 =	smulhi.u32 $0x2AAAAAAB, s3;
	s20 =	sshra.s32 s3, $0x1F;
	[tilespmem:v59+s21+$0x0] =	vst.idx.msk $0xffff, v8  }
0x1b7: {  	s14 =	simm.s32 @p0 $0x6;
	v61 =	vor.u32 s8, v5;
	s0 =	simm.s32 $0x1;
	s18 =	smul.u32 $0x2AAAAAAB, s20;
	v8 =	vld.idx.msk [tilespmem:v60+s10+$0x0], $0xffff  }
0x1b8: {  	v62 =	vor.u32 s9, v6;
	s0 =	simm.s32 @!p1 $0x0;
	p1 =	slt.s32 @p0 s28, $0x6;
	s9 =	sadd.s32 s25, s3  }
0x1b9: {  	s0 =	sadd.s32 $0x0, s0;
	p3 =	por p1, !p0;
	s15 =	sadd.s32 s18, s15  }
0x1ba: {  	s14 =	smulhi.u32 @!p3 $0x2AAAAAAB, s14;
	s18 =	simm.s32 @!p3 $0x0;
	s19 =	sshrl.u32 s15, $0x1F  }
0x1bb: {  	s20 =	sadd.s32 @!p3 $0x6, s25;
	s31 =	smul.u32 @!p3 $0x2AAAAAAB, s18;
	s19 =	sadd.s32 s19, s15  }
0x1bc: {  	s18 =	sshll.u32 s9, $0x7;
	s15 =	sshll.u32 @!p3 s20, $0x7;
	s9 =	smul.u32 $0x6, s19;
	[tilespmem:v61+s21+$0x0] =	vst.idx.msk $0xffff, v8  }
0x1bd: {  	p4 =	slt.s32 @!p3 s15, $0x18680;
	s19 =	simm.s32 @!p3 $0xC3800;
	v8 =	vld.idx.msk [tilespmem:v62+s10+$0x0], $0xffff;
	s10 =	sadd.s32 @!p3 s31, s14  }
0x1be: {  	v63 =	vor.u32 s8, v7;
	p1 =	por @p0 !p4, p1;
	p4 =	slt.s32 s18, $0x18680;
	s8 =	sshrl.u32 @!p3 s10, $0x1F  }
0x1bf: {  	s9 =	ssub.s32 s3, s9;
	p1 =	por !p1, !p0;
	s8 =	sadd.s32 @!p3 s8, s10  }
0x1c0: {  	s18 =	simm.s32 @!p4 $0x18680;
	p4 =	slt.s32 s0, $0x1FF;
	s8 =	smul.u32 @!p3 $0x6, s8  }
.Ltmp10:
0x1c1: {  	s9 =	sshll.u32 s9, $0xF;
	s15 =	simm.s32 @!p1 $0x18680;
	(pc) =	sbr.rel @!p2 .LBB2_16-.Ltmp10, $4  }
0x1c2: {  	p1 =	por $0x1, $0x1;
	s20 =	sshra.s32 s9, $0x2;
	s8 =	ssub.s32 @!p3 $0x6, s8  }
0x1c3: {  	s15 =	sadd.s32 @!p3 s2, s15;
	s14 =	simm.s32 @p0 $0x1;
	[tilespmem:v63+s21+$0x0] =	vst.idx.msk $0xffff, v8;
	s8 =	sshll.u32 @!p3 s8, $0xF  }
0x1c4: {  	s31 =	sadd.s32 $0x1, s3;
	_ =	swait.ge @p0 [sflag:s14], $0x2000;
	s9 =	sshra.s32 @!p3 s8, $0x2  }
0x1c5: {  	s8 =	simm.s32 @!p3 $0x400;
	[sflag:s14] =	ssyncset.done @p0 $0x0;
	s9 =	sor.u32 @!p3 $0x900, s9  }
.LBB2_15:
0x1c6: {  	s10 =	smov.u32 s0  }
0x1c7: {  	s13 =	sadd.s32 $0xFFFFFFFF, s13;
	[sflag:s14] =	ssyncadd.s32 @p0 $0xFFFFE000;
	s10 =	simm.s32 @!p4 $0x1FF  }
0x1c8: {  	[tilespmem:s9], [sflag:$0x1] =	stream.strided.gather @!p3 [hbm4b:s15+s8], $0x2000, s19, s8, $0x38;
	[tilespmem:$0x1CD00] =	vst v63  }
0x1c9: {  	p2 =	sne.s32 s13, $0x0;
	v8 =	vld [tilespmem:s10+$0x280];
	_ =	sdelay $0x4  }
0x1ca: {  	(v2sf) =	vpush v8, $0x0;
	_ =	sdelay $0xe  }
0x1cb: {  	s8 =	sadd.s32 $0x80, s18;
	s9 =	spop (v2sf)  }
0x1cc: {  	p0 =	slt.s32 s0, $0x200;
	p3 =	slt.s32 s9, s8  }
0x1cd: {  	s8 =	ssub.s32 s9, s18;
	p0 =	por !p0, !p3  }
0x1ce: {  	s9 =	smov.u32 s0;
	p3 =	sgt.s32 s8, $0x0;
	p5 =	por !p0, !p0  }
0x1cf: {  	p4 =	sle.s32 s31, s28;
	s8 =	simm.s32 @!p3 $0x0;
	s9 =	simm.s32 @!p5 $0x200  }
0x1d0: {  	p0 =	por !p4, !p0;
	s15 =	sshll.u32 s9, $0x7;
	s9 =	simm.s32 $0x1  }
0x1d1: {  	s8 =	smin.u32 s8, $0x7F;
	p0 =	por !p0, !p0;
	s9 =	simm.s32 @!p5 $0x0  }
0x1d2: {  	v8 =	vor.u32 s8, v1;
	s14 =	sadd.s32 @p0 $0x6, s3;
	s0 =	sadd.s32 s9, s0;
	s9 =	simm.s32 $0x1  }
0x1d3: {  	p4 =	sgt.s32 @p0 s14, s28;
	s9 =	simm.s32 @!p0 $0x0  }
0x1d4: {  	s3 =	sadd.s32 s9, s3  }
0x1d5: {  	s9 =	sadd.s32 s25, s3;
	s10 =	smulhi.u32 $0x2AAAAAAB, s3;
	s19 =	sshra.s32 s3, $0x1F  }
0x1d6: {  	s18 =	sshll.u32 s9, $0x7;
	s9 =	smul.u32 $0x2AAAAAAB, s19;
	s19 =	sor.u32 $0x900, s20  }
0x1d7: {  	s31 =	sadd.s32 $0x1, s3;
	p3 =	slt.s32 s18, $0x18680;
	v8 =	vld.idx.msk [tilespmem:v8+s19+$0x0], $0xffff  }
0x1d8: {  	v9 =	vor.u32 s15, v0;
	s18 =	simm.s32 @!p3 $0x18680;
	s9 =	sadd.s32 s9, s10  }
0x1d9: {  	v10 =	vor.u32 s8, v2;
	s10 =	sshrl.u32 s9, $0x1F  }
0x1da: {  	s9 =	sadd.s32 s10, s9  }
0x1db: {  	s9 =	smul.u32 $0x6, s9;
	_ =	sdelay $0x1  }
0x1dc: {  	s9 =	ssub.s32 s3, s9;
	[tilespmem:v9+s21+$0x0] =	vst.idx.msk $0xffff, v8  }
0x1dd: {  	s9 =	sshll.u32 s9, $0xF;
	v8 =	vld.idx.msk [tilespmem:v10+s19+$0x0], $0xffff  }
0x1de: {  	v9 =	vor.u32 s15, v3;
	s20 =	sshra.s32 s9, $0x2  }
0x1df: {  	v10 =	vor.u32 s8, v4;
	_ =	sdelay $0x3  }
0x1e0: {  	[tilespmem:v9+s21+$0x0] =	vst.idx.msk $0xffff, v8  }
0x1e1: {  	v8 =	vld.idx.msk [tilespmem:v10+s19+$0x0], $0xffff  }
0x1e2: {  	v9 =	vor.u32 s15, v5  }
0x1e3: {  	v10 =	vor.u32 s8, v6  }
0x1e4: {  	p3 =	por p4, !p0  }
0x1e5: {  	s10 =	sadd.s32 @!p3 s25, s14;
	s9 =	sshra.s32 @!p3 s14, $0x1F;
	s8 =	smulhi.u32 @!p3 $0x2AAAAAAB, s14  }
0x1e6: {  	s10 =	sshll.u32 @!p3 s10, $0x7;
	s9 =	smul.u32 @!p3 $0x2AAAAAAB, s9  }
0x1e7: {  	p5 =	slt.s32 @!p3 s10, $0x18680;
	[tilespmem:v9+s21+$0x0] =	vst.idx.msk $0xffff, v8  }
0x1e8: {  	p4 =	por @p0 !p5, p4;
	s8 =	sadd.s32 @!p3 s9, s8;
	v8 =	vld.idx.msk [tilespmem:v10+s19+$0x0], $0xffff  }
0x1e9: {  	p4 =	por !p4, !p0;
	s9 =	sshrl.u32 @!p3 s8, $0x1F;
	v9 =	vor.u32 s15, v7  }
0x1ea: {  	s10 =	simm.s32 @!p4 $0x18680;
	s8 =	sadd.s32 @!p3 s9, s8  }
0x1eb: {  	s8 =	smul.u32 @!p3 $0x6, s8;
	s15 =	sadd.s32 @!p3 s2, s10  }
.Ltmp11:
0x1ec: {  	(pc) =	sbr.rel @p2 .LBB2_15-.Ltmp11, $4  }
0x1ed: {  	s8 =	ssub.s32 @!p3 s14, s8  }
0x1ee: {  	s14 =	simm.s32 @p0 $0x1;
	s19 =	simm.s32 @!p3 $0xC3800;
	s8 =	sshll.u32 @!p3 s8, $0xF;
	[tilespmem:v9+s21+$0x0] =	vst.idx.msk $0xffff, v8  }
0x1ef: {  	s9 =	sshra.s32 @!p3 s8, $0x2;
	s8 =	simm.s32 @!p3 $0x400;
	_ =	swait.ge @p0 [sflag:s14], $0x2000  }
0x1f0: {  	p4 =	slt.s32 s0, $0x1FF;
	s9 =	sor.u32 @!p3 $0x900, s9;
	[sflag:s14] =	ssyncset.done @p0 $0x0  }
.Ltmp12:
0x1f1: {  	_ = 	snop;
	(pc) =	sbr.rel .LBB2_16-.Ltmp12, $1  }
0x1f2: {  	_ =	sdelay $0x3  }
.LBB2_5:
.Ltmp13:
0x1f3: {  	(pc) =	sbr.rel .LBB2_8-.Ltmp13, $2  }
0x1f4: {  	_ =	sdelay $0x2  }
0x1f5: {  	s3 =	simm.s32 $0x0  }
.LBB2_18:
0x1f6: {  	_ =	sfence.sel $0x180000  }
0x1f7: {  	[bflag:$0x0] =	sbarrier.arrive $0xFFFF  }
0x1f8: {  	_ =	strace $0x90000047  }
0x1f9: {  	s0 =	stileid.u32;
	[bflag:$0x2] =	sbarrier.arrive $0xFFFF  }
0x1fa: {  	p0 =	sne.s32 s0, $0x0;
	s0 =	rddreg [dreg:$0x4]  }
0x1fb: {  	s0 =	sadd.s32 @!p0 $0x100000, s0  }
0x1fc: {  	[sflag:s0] =	ssyncadd.tile.s32 @!p0 $0x1;
	_ =	shalt  }
.Lfunc_end2:
_tile_overlayer_lowered:
.L_overlay_start_2:
0x1fd: {  	(tag) =	ssettag $0x2  }
0x1fe: {  	s0 =	rddreg [dreg:$0x0];
	s2 =	stileid.u32  }
0x1ff: {  	s1 =	rddreg [dreg:$0x1];
	p0 =	sne.s32 s2, $0x0  }
0x200: {  	s3 =	rddreg [dreg:$0x2];
	[bflag:$0x3] =	sbarrier.arrive $0xFFFF;
	s2 =	simm.s32 @!p0 $0x1C03  }
0x201: {  	[timem:s3], [sflag:s2] =	dma.local @!p0 [hbm:s0], s1  }
0x202: {  	s0 =	simm.s32 @!p0 $0x3  }
0x203: {  	_ =	swait.ge @!p0 [sflag:s0], s1  }
0x204: {  	s1 =	ssub.s32 @!p0 $0x0, s1;
	[sflag:s0] =	ssyncset.done @!p0 $0x0  }
0x205: {  	[sflag:s0] =	ssyncadd.s32 @!p0 s1  }
0x206: {  	[bflag:$0x3] =	sbarrier.arrive $0xFFFF  }
0x207: {  	_ =	shalt  }

</sc_bundles>
